<compile_context>
chip_gen: v7x
topology: tpu7x:2x2x1
jax: 0.10.2.dev20260603
libtpu: 0.0.44.dev20260713+nightly
codegen_flags: <defaults>
</compile_context>

<pallas_src>
import functools

import jax
import jax.numpy as jnp
import numpy as np
from jax import lax
from jax.experimental import pallas as pl
from jax.experimental.pallas import tpu as pltpu
from jax.experimental.pallas import tpu_sc as plsc

_C = 8
_G = 8
_B = _C * _G
_D = 500
_R = _G + _C - 1
_ROWS = _B * _R
_SLAB = 32
_NW_USED = _ROWS // _SLAB
_EPW = 2 * _SLAB
_CHUNKS = tuple(range(0, _D - 16, 16)) + (_D - 16,)

_J = np.array([
    3, 2, 6, 6, 3, 7, 6, 6, 2, 6, 3, 6, 2, 3, 2, 5, 1, 3, 7, 3, 3, 2, 7, 6,
    3, 2, 7, 3, 4, 4, 5, 4, 6, 6, 4, 3, 1, 4, 3, 2, 5, 1, 1, 6, 4, 6, 4, 5,
    5, 7, 3, 3, 3, 4, 4, 2, 3, 3, 5, 5, 7, 2, 1, 4, 4, 4, 3, 1, 7, 2, 3, 7,
    4, 7, 4, 1, 1, 2, 4, 4, 7, 7, 6, 7, 5, 6, 1, 6, 1, 7, 7, 1, 6, 6, 5, 3,
    7, 4, 4, 6, 4, 6, 2, 6, 3, 4, 3, 3, 4, 6, 6, 2, 5, 7, 5, 4, 5, 1, 7, 2,
    4, 6, 1, 7, 1, 6, 5, 3, 1, 6, 3, 5, 3, 6, 6, 7, 5, 6, 5, 5, 7, 5, 7, 1,
    6, 2, 2, 3, 4, 4, 2, 1, 4, 4, 3, 1, 6, 7, 4, 5, 7, 6, 5, 5, 6, 4, 7, 5,
    5, 2, 4, 3, 5, 4, 6, 1, 6, 4, 3, 4, 7, 7, 1, 4, 7, 7, 2, 3, 6, 4, 2, 5,
    1, 4, 4, 3, 4, 4, 5, 4, 6, 1, 4, 5, 6, 3, 1, 7, 2, 1, 7, 1, 5, 1, 6, 4,
    3, 5, 2, 5, 1, 1, 4, 6, 2, 3, 4, 2, 1, 7, 4, 1, 5, 7, 2, 2, 2, 7, 6, 5,
    2, 5, 3, 4, 6, 3, 7, 3, 6, 3, 4, 3, 6, 5, 7, 3, 5, 5, 7, 2, 6, 1, 4, 6,
    5, 6, 6, 2, 2, 1, 5, 2, 7, 6, 3, 4, 3, 2, 3, 7, 3, 2, 7, 3, 6, 2, 4, 3,
    6, 2, 2, 5, 3, 1, 4, 5, 3, 5, 3, 4, 7, 2, 6, 5, 5, 3, 5, 2, 4, 3, 5, 5,
    1, 4, 2, 7, 6, 3, 6, 5, 7, 6, 4, 1, 3, 4, 7, 7, 7, 4, 4, 7, 4, 4, 6, 3,
    3, 3, 3, 3, 1, 3, 3, 6, 1, 3, 2, 3, 6, 6, 5, 3, 7, 2, 2, 5, 2, 5, 2, 5,
    6, 3, 3, 5, 5, 5, 2, 6, 4, 3, 7, 6, 1, 1, 6, 6, 5, 1, 2, 7, 5, 5, 1, 7,
    6, 6, 5, 4, 3, 3, 3, 4, 6, 2, 4, 4, 3, 4, 7, 4, 4, 6, 2, 4, 3, 2, 6, 6,
    1, 5, 1, 4, 1, 3, 3, 3, 3, 7, 4, 7, 5, 2, 3, 6, 6, 6, 4, 7, 4, 5, 3, 4,
    1, 5, 4, 1, 4, 5, 6, 2, 2, 5, 1, 2, 1, 3, 4, 2,
], dtype=np.int32)

_NEW_TARGETS = np.tile(
    np.array([1] * _G + [0] * (_C - 1), dtype=np.int32), _B)


@functools.cache
def _build_sc_gather():
    mesh = plsc.VectorSubcoreMesh(core_axis_name="c", subcore_axis_name="s")

    @functools.partial(
        pl.kernel,
        mesh=mesh,
        out_type=jax.ShapeDtypeStruct((_ROWS, 2 * _D), jnp.float32),
        scratch_types=[
            pltpu.VMEM((_B,), jnp.int32),
            pltpu.VMEM((_B * (_C - 1),), jnp.int32),
            pltpu.VMEM((_EPW,), jnp.int32),
            pltpu.VMEM((len(_CHUNKS) * 16,), jnp.int32),
            pltpu.VMEM((_B, _D), jnp.float32),
            pltpu.VMEM((_SLAB, 2 * _D), jnp.float32),
            pltpu.SemaphoreType.DMA,
            pltpu.SemaphoreType.DMA,
        ],
        compiler_params=pltpu.CompilerParams(needs_layout_passes=False),
    )
    def _sc_gather(table_hbm, targets_hbm, j_hbm, out_hbm,
                   tgt_v, j_v, srow_v, col_v, table_v, packed_v, sem, sem2):
        wid = lax.axis_index("s") * 2 + lax.axis_index("c")

        @pl.when(wid < _NW_USED)
        def _():
            table_cp = pltpu.async_copy(table_hbm, table_v, sem)
            pltpu.sync_copy(targets_hbm, tgt_v)
            pltpu.sync_copy(j_hbm, j_v)

            lanes = lax.broadcasted_iota(jnp.int32, (16,), 0)
            for k in range(_EPW // 16):
                r = wid * _EPW + k * 16 + lanes
                b = r // 30
                rr = r - b * 30
                pair = rr // 2
                odd = rr - pair * 2
                tc = plsc.load_gather(tgt_v, [b])
                i = pair - _G
                jj = plsc.load_gather(j_v, [b * (_C - 1) + jnp.maximum(i, 0)])
                ncls = i + (i >= tc).astype(jnp.int32)
                part = jnp.where(i >= 0, ncls * _G + jj, tc * _G + pair)
                srow_v[pl.ds(k * 16, 16)] = jnp.where(odd == 1, part, b)
            for ci, cc in enumerate(_CHUNKS):
                col_v[pl.ds(ci * 16, 16)] = cc + lanes

            table_cp.wait()

            def _row(rl, half):
                rp = half * _SLAB + rl
                srow = plsc.load_gather(srow_v, [jnp.full((16,), rp, jnp.int32)])
                p = rp // 2
                colb = (rp - p * 2) * _D
                prow = jnp.full((16,), p, jnp.int32)
                cb = jnp.full((16,), colb, jnp.int32)

                @plsc.parallel_loop(0, len(_CHUNKS), unroll=8)
                def _chunk(ci):
                    colv = col_v[pl.ds(ci * 16, 16)]
                    v = plsc.load_gather(table_v, [srow, colv])
                    plsc.store_scatter(packed_v, [prow, cb + colv], v)

            half_rows = _SLAB // 2
            for half in range(2):
                plsc.parallel_loop(0, _SLAB, unroll=4)(
                    functools.partial(_row, half=half))
                cp = pltpu.async_copy(
                    packed_v.at[pl.ds(half * half_rows, half_rows)],
                    out_hbm.at[pl.ds(wid * _SLAB + half * half_rows, half_rows)],
                    sem2)
                if half == 1:
                    cp.wait()
                else:
                    _pending = cp
            _pending.wait()

    return _sc_gather


def kernel(inputs, targets):
    jconst = jnp.asarray(_J)
    expanded = _build_sc_gather()(inputs, targets.astype(jnp.int32), jconst)

    new_targets = jnp.asarray(_NEW_TARGETS)
    return new_targets, expanded

# --- scband reference (transcript-rebuilt; emitter-appended) ---
"""Pipeline reference for scband-expanded-siamese-concat-76132590289284 (READ-ONLY COPY).

The authoritative reference and input builder live on the scoring server;
editing this copy changes nothing except your own understanding.
"""

import jax, jax.numpy as jnp
import numpy as np

N_CLASSES = 8
GROUP = 8
D = 500

def setup_inputs(seed: int = 0) -> dict:
    key = jax.random.key(seed)
    k1, _ = jax.random.split(key)
    inputs = jax.random.normal(k1, (N_CLASSES * GROUP, D), dtype=jnp.float32)
    # targets must be sorted with equal-size class groups so that every anchor
    # expands to exactly GROUP positives + (N_CLASSES-1) negatives = 15 rows,
    # matching the module's hardcoded set_shape([960, 1000]).
    targets = jnp.repeat(jnp.arange(N_CLASSES, dtype=jnp.int32), GROUP)
    return {"inputs": inputs, "targets": targets}

def reference(inputs, targets):
    curr = inputs
    B, d = curr.shape
    C = N_CLASSES
    G = GROUP
    anchor_class = targets.astype(jnp.int32)  # [B]
    # dynamic_partition(curr, targets==anchor_class): with sorted equal groups,
    # class c occupies rows [c*G, (c+1)*G)
    groups = curr.reshape(C, G, d)
    positives = jnp.take(groups, anchor_class, axis=0)            # [B, G, d]
    anchor_rep_pos = jnp.broadcast_to(curr[:, None, :], (B, G, d))
    positives_combined = jnp.concatenate([anchor_rep_pos, positives], axis=-1)  # [B, G, 2d]
    # looper: classes 0..anchor_class-1 and anchor_class+1..C-1 (skip own class)
    idx = jnp.arange(C - 1)
    neg_cls = idx[None, :] + (idx[None, :] >= anchor_class[:, None]).astype(jnp.int32)  # [B, C-1]
    # random_negative_idx = random_shuffle(range(1, size))[0] -> uniform in [1, G)
    j = jax.random.randint(jax.random.key(1), (B, C - 1), 1, G)
    neg_rows = neg_cls * G + j                                    # [B, C-1]
    negatives = jnp.take(curr, neg_rows.reshape(-1), axis=0).reshape(B, C - 1, d)
    anchor_rep_neg = jnp.broadcast_to(curr[:, None, :], (B, C - 1, d))
    negatives_combined = jnp.concatenate([anchor_rep_neg, negatives], axis=-1)  # [B, C-1, 2d]
    expanded = jnp.concatenate([positives_combined, negatives_combined], axis=1)
    expanded = expanded.reshape(-1, 2 * d)                        # [B*(G+C-1), 2d] = [960, 1000]
    labels_per_anchor = jnp.concatenate(
        [jnp.ones((G,), dtype=jnp.int32), jnp.zeros((C - 1,), dtype=jnp.int32)])
    new_targets = jnp.tile(labels_per_anchor, (B,))               # [960]
    return new_targets, expanded

if __name__ == "__main__":
    import jax
    _d = setup_inputs()
    print(jax.jit(kernel)(*tuple(_d.values())))

</pallas_src>

<mosaic_0001>
#map = affine_map<(d0, d1) -> (0, 0)>
#map1 = affine_map<(d0, d1) -> (0)>
module attributes {stable_mosaic.version = 14 : i64} {
  func.func @_sc_gather(%arg0: i32, %arg1: i32, %arg2: memref<64x500xf32, #tpu.memory_space<hbm>>, %arg3: memref<64xi32, #tpu.memory_space<hbm>>, %arg4: memref<448xi32, #tpu.memory_space<hbm>>, %arg5: memref<960x1000xf32, #tpu.memory_space<hbm>>, %arg6: memref<64xi32, #tpu.memory_space<vmem>>, %arg7: memref<448xi32, #tpu.memory_space<vmem>>, %arg8: memref<64xi32, #tpu.memory_space<vmem>>, %arg9: memref<512xi32, #tpu.memory_space<vmem>>, %arg10: memref<64x500xf32, #tpu.memory_space<vmem>>, %arg11: memref<32x1000xf32, #tpu.memory_space<vmem>>, %arg12: memref<!tpu.dma_semaphore, #tpu.memory_space<semaphore_mem>>, %arg13: memref<!tpu.dma_semaphore, #tpu.memory_space<semaphore_mem>>) attributes {dimension_semantics = [#tpu.dimension_semantics<core_parallel>, #tpu.dimension_semantics<subcore_parallel>], iteration_bounds = array<i64: 2, 16>, scalar_prefetch = 0 : i64, scratch_operands = 8 : i64, tpu.core_type = #tpu.core_type<sc_vector_subcore>, window_params = [{transform_indices = #map}, {transform_indices = #map1}, {transform_indices = #map1}, {transform_indices = #map}]} {
    %mul3A = arith.constant 2 : i32
    %mul3A_0 = arith.muli %arg1, %mul3A : i32
    %add3A = arith.addi %mul3A_0, %arg0 : i32
    %lt3A = arith.constant 30 : i32
    %lt3A_1 = arith.cmpi slt, %add3A, %lt3A : i32
    %convert_element_type3A = arith.extui %lt3A_1 : i1 to i32
    %cond3A = arith.constant 0 : i32
    %cond3A_2 = arith.cmpi ne, %convert_element_type3A, %cond3A : i32
    scf.if %cond3A_2 {
      tpu.enqueue_dma source(%arg2 : memref<64x500xf32, #tpu.memory_space<hbm>>) target(%arg10 : memref<64x500xf32, #tpu.memory_space<vmem>>) target_semaphore(%arg12 : memref<!tpu.dma_semaphore, #tpu.memory_space<semaphore_mem>>)
      "tpu.region"() ({
        %run_scoped3A = tpu.sem_alloc : memref<!tpu.dma_semaphore, #tpu.memory_space<semaphore_mem>>
        tpu.enqueue_dma source(%arg3 : memref<64xi32, #tpu.memory_space<hbm>>) target(%arg6 : memref<64xi32, #tpu.memory_space<vmem>>) target_semaphore(%run_scoped3A : memref<!tpu.dma_semaphore, #tpu.memory_space<semaphore_mem>>)
        tpu.wait_dma2 semaphore(%run_scoped3A : memref<!tpu.dma_semaphore, #tpu.memory_space<semaphore_mem>>) src(%arg3 : memref<64xi32, #tpu.memory_space<hbm>>) dst(%arg6 : memref<64xi32, #tpu.memory_space<vmem>>)
        tpu.yield
      }) : () -> ()
      "tpu.region"() ({
        %run_scoped3A = tpu.sem_alloc : memref<!tpu.dma_semaphore, #tpu.memory_space<semaphore_mem>>
        tpu.enqueue_dma source(%arg4 : memref<448xi32, #tpu.memory_space<hbm>>) target(%arg7 : memref<448xi32, #tpu.memory_space<vmem>>) target_semaphore(%run_scoped3A : memref<!tpu.dma_semaphore, #tpu.memory_space<semaphore_mem>>)
        tpu.wait_dma2 semaphore(%run_scoped3A : memref<!tpu.dma_semaphore, #tpu.memory_space<semaphore_mem>>) src(%arg4 : memref<448xi32, #tpu.memory_space<hbm>>) dst(%arg7 : memref<448xi32, #tpu.memory_space<vmem>>)
        tpu.yield
      }) : () -> ()
      %iota3A = tpu.iota {dimensions = array<i32: 0>} : vector<16xi32>
      %mul3A_3 = arith.constant 64 : i32
      %mul3A_4 = arith.muli %add3A, %mul3A_3 : i32
      %add3A_5 = arith.constant 0 : i32
      %add3A_6 = arith.addi %mul3A_4, %add3A_5 : i32
      %add3A_7 = vector.broadcast %add3A_6 : i32 to vector<16xi32>
      %add3A_8 = arith.addi %add3A_7, %iota3A : vector<16xi32>
      %jit3A = arith.constant 30 : i32
      %div3A = vector.broadcast %jit3A : i32 to vector<16xi32>
      %div3A_9 = arith.divsi %add3A_8, %div3A : vector<16xi32>
      %sign3A = arith.constant 0 : i32
      %sign3A_10 = vector.broadcast %sign3A : i32 to vector<16xi32>
      %sign3A_11 = arith.cmpi sgt, %add3A_8, %sign3A_10 : vector<16xi32>
      %sign3A_12 = arith.extui %sign3A_11 : vector<16xi1> to vector<16xi32>
      %sign3A_13 = arith.constant 0 : i32
      %sign3A_14 = vector.broadcast %sign3A_13 : i32 to vector<16xi32>
      %sign3A_15 = arith.cmpi slt, %add3A_8, %sign3A_14 : vector<16xi32>
      %sign3A_16 = arith.extui %sign3A_15 : vector<16xi1> to vector<16xi32>
      %sign3A_17 = arith.subi %sign3A_12, %sign3A_16 : vector<16xi32>
      %sign3A_18 = arith.constant 0 : i32
      %sign3A_19 = arith.cmpi sgt, %jit3A, %sign3A_18 : i32
      %sign3A_20 = arith.extui %sign3A_19 : i1 to i32
      %sign3A_21 = arith.constant 0 : i32
      %sign3A_22 = arith.cmpi slt, %jit3A, %sign3A_21 : i32
      %sign3A_23 = arith.extui %sign3A_22 : i1 to i32
      %sign3A_24 = arith.subi %sign3A_20, %sign3A_23 : i32
      %ne3A = vector.broadcast %sign3A_24 : i32 to vector<16xi32>
      %ne3A_25 = arith.cmpi ne, %sign3A_17, %ne3A : vector<16xi32>
      %rem3A = vector.broadcast %jit3A : i32 to vector<16xi32>
      %rem3A_26 = arith.remsi %add3A_8, %rem3A : vector<16xi32>
      %ne3A_27 = arith.constant 0 : i32
      %ne3A_28 = vector.broadcast %ne3A_27 : i32 to vector<16xi32>
      %ne3A_29 = arith.cmpi ne, %rem3A_26, %ne3A_28 : vector<16xi32>
      %and3A = arith.andi %ne3A_25, %ne3A_29 : vector<16xi1>
      %sub3A = arith.constant 1 : i32
      %sub3A_30 = vector.broadcast %sub3A : i32 to vector<16xi32>
      %sub3A_31 = arith.subi %div3A_9, %sub3A_30 : vector<16xi32>
      %select_n3A = arith.select %and3A, %sub3A_31, %div3A_9 : vector<16xi1>, vector<16xi32>
      %mul3A_32 = arith.constant 30 : i32
      %mul3A_33 = vector.broadcast %mul3A_32 : i32 to vector<16xi32>
      %mul3A_34 = arith.muli %select_n3A, %mul3A_33 : vector<16xi32>
      %sub3A_35 = arith.subi %add3A_8, %mul3A_34 : vector<16xi32>
      %jit3A_36 = arith.constant 2 : i32
      %div3A_37 = vector.broadcast %jit3A_36 : i32 to vector<16xi32>
      %div3A_38 = arith.divsi %sub3A_35, %div3A_37 : vector<16xi32>
      %sign3A_39 = arith.constant 0 : i32
      %sign3A_40 = vector.broadcast %sign3A_39 : i32 to vector<16xi32>
      %sign3A_41 = arith.cmpi sgt, %sub3A_35, %sign3A_40 : vector<16xi32>
      %sign3A_42 = arith.extui %sign3A_41 : vector<16xi1> to vector<16xi32>
      %sign3A_43 = arith.constant 0 : i32
      %sign3A_44 = vector.broadcast %sign3A_43 : i32 to vector<16xi32>
      %sign3A_45 = arith.cmpi slt, %sub3A_35, %sign3A_44 : vector<16xi32>
      %sign3A_46 = arith.extui %sign3A_45 : vector<16xi1> to vector<16xi32>
      %sign3A_47 = arith.subi %sign3A_42, %sign3A_46 : vector<16xi32>
      %sign3A_48 = arith.constant 0 : i32
      %sign3A_49 = arith.cmpi sgt, %jit3A_36, %sign3A_48 : i32
      %sign3A_50 = arith.extui %sign3A_49 : i1 to i32
      %sign3A_51 = arith.constant 0 : i32
      %sign3A_52 = arith.cmpi slt, %jit3A_36, %sign3A_51 : i32
      %sign3A_53 = arith.extui %sign3A_52 : i1 to i32
      %sign3A_54 = arith.subi %sign3A_50, %sign3A_53 : i32
      %ne3A_55 = vector.broadcast %sign3A_54 : i32 to vector<16xi32>
      %ne3A_56 = arith.cmpi ne, %sign3A_47, %ne3A_55 : vector<16xi32>
      %rem3A_57 = vector.broadcast %jit3A_36 : i32 to vector<16xi32>
      %rem3A_58 = arith.remsi %sub3A_35, %rem3A_57 : vector<16xi32>
      %ne3A_59 = arith.constant 0 : i32
      %ne3A_60 = vector.broadcast %ne3A_59 : i32 to vector<16xi32>
      %ne3A_61 = arith.cmpi ne, %rem3A_58, %ne3A_60 : vector<16xi32>
      %and3A_62 = arith.andi %ne3A_56, %ne3A_61 : vector<16xi1>
      %sub3A_63 = arith.constant 1 : i32
      %sub3A_64 = vector.broadcast %sub3A_63 : i32 to vector<16xi32>
      %sub3A_65 = arith.subi %div3A_38, %sub3A_64 : vector<16xi32>
      %select_n3A_66 = arith.select %and3A_62, %sub3A_65, %div3A_38 : vector<16xi1>, vector<16xi32>
      %mul3A_67 = arith.constant 2 : i32
      %mul3A_68 = vector.broadcast %mul3A_67 : i32 to vector<16xi32>
      %mul3A_69 = arith.muli %select_n3A_66, %mul3A_68 : vector<16xi32>
      %sub3A_70 = arith.subi %sub3A_35, %mul3A_69 : vector<16xi32>
      %gather3A = tpu.vector_load_idx %arg6[%select_n3A] : memref<64xi32, #tpu.memory_space<vmem>>[vector<16xi32>], vector<16xi32>,
      %sub3A_71 = arith.constant 8 : i32
      %sub3A_72 = vector.broadcast %sub3A_71 : i32 to vector<16xi32>
      %sub3A_73 = arith.subi %select_n3A_66, %sub3A_72 : vector<16xi32>
      %mul3A_74 = arith.constant 7 : i32
      %mul3A_75 = vector.broadcast %mul3A_74 : i32 to vector<16xi32>
      %mul3A_76 = arith.muli %select_n3A, %mul3A_75 : vector<16xi32>
      %max3A = arith.constant 0 : i32
      %max3A_77 = vector.broadcast %max3A : i32 to vector<16xi32>
      %max3A_78 = arith.maxsi %sub3A_73, %max3A_77 : vector<16xi32>
      %add3A_79 = arith.addi %mul3A_76, %max3A_78 : vector<16xi32>
      %gather3A_80 = tpu.vector_load_idx %arg7[%add3A_79] : memref<448xi32, #tpu.memory_space<vmem>>[vector<16xi32>], vector<16xi32>,
      %ge3A = arith.cmpi sge, %sub3A_73, %gather3A : vector<16xi32>
      %convert_element_type3A_81 = arith.extui %ge3A : vector<16xi1> to vector<16xi32>
      %add3A_82 = arith.addi %sub3A_73, %convert_element_type3A_81 : vector<16xi32>
      %ge3A_83 = arith.constant 0 : i32
      %ge3A_84 = vector.broadcast %ge3A_83 : i32 to vector<16xi32>
      %ge3A_85 = arith.cmpi sge, %sub3A_73, %ge3A_84 : vector<16xi32>
      %mul3A_86 = arith.constant 8 : i32
      %mul3A_87 = vector.broadcast %mul3A_86 : i32 to vector<16xi32>
      %mul3A_88 = arith.muli %add3A_82, %mul3A_87 : vector<16xi32>
      %add3A_89 = arith.addi %mul3A_88, %gather3A_80 : vector<16xi32>
      %mul3A_90 = arith.constant 8 : i32
      %mul3A_91 = vector.broadcast %mul3A_90 : i32 to vector<16xi32>
      %mul3A_92 = arith.muli %gather3A, %mul3A_91 : vector<16xi32>
      %add3A_93 = arith.addi %mul3A_92, %select_n3A_66 : vector<16xi32>
      %select_n3A_94 = arith.select %ge3A_85, %add3A_89, %add3A_93 : vector<16xi1>, vector<16xi32>
      %eq3A = arith.constant 1 : i32
      %eq3A_95 = vector.broadcast %eq3A : i32 to vector<16xi32>
      %eq3A_96 = arith.cmpi eq, %sub3A_70, %eq3A_95 : vector<16xi32>
      %select_n3A_97 = arith.select %eq3A_96, %select_n3A_94, %select_n3A : vector<16xi1>, vector<16xi32>
      %swap3A = arith.constant 0 : index
      %swap3A_98 = tpu.vector_load %arg8[%swap3A] {strides = array<i32>} : memref<64xi32, #tpu.memory_space<vmem>>, vector<16xi32>,
      tpu.vector_store %arg8[%swap3A], %select_n3A_97 {strides = array<i32>} : memref<64xi32, #tpu.memory_space<vmem>>, vector<16xi32>,
      %mul3A_99 = arith.constant 64 : i32
      %mul3A_100 = arith.muli %add3A, %mul3A_99 : i32
      %add3A_101 = arith.constant 16 : i32
      %add3A_102 = arith.addi %mul3A_100, %add3A_101 : i32
      %add3A_103 = vector.broadcast %add3A_102 : i32 to vector<16xi32>
      %add3A_104 = arith.addi %add3A_103, %iota3A : vector<16xi32>
      %jit3A_105 = arith.constant 30 : i32
      %div3A_106 = vector.broadcast %jit3A_105 : i32 to vector<16xi32>
      %div3A_107 = arith.divsi %add3A_104, %div3A_106 : vector<16xi32>
      %sign3A_108 = arith.constant 0 : i32
      %sign3A_109 = vector.broadcast %sign3A_108 : i32 to vector<16xi32>
      %sign3A_110 = arith.cmpi sgt, %add3A_104, %sign3A_109 : vector<16xi32>
      %sign3A_111 = arith.extui %sign3A_110 : vector<16xi1> to vector<16xi32>
      %sign3A_112 = arith.constant 0 : i32
      %sign3A_113 = vector.broadcast %sign3A_112 : i32 to vector<16xi32>
      %sign3A_114 = arith.cmpi slt, %add3A_104, %sign3A_113 : vector<16xi32>
      %sign3A_115 = arith.extui %sign3A_114 : vector<16xi1> to vector<16xi32>
      %sign3A_116 = arith.subi %sign3A_111, %sign3A_115 : vector<16xi32>
      %sign3A_117 = arith.constant 0 : i32
      %sign3A_118 = arith.cmpi sgt, %jit3A_105, %sign3A_117 : i32
      %sign3A_119 = arith.extui %sign3A_118 : i1 to i32
      %sign3A_120 = arith.constant 0 : i32
      %sign3A_121 = arith.cmpi slt, %jit3A_105, %sign3A_120 : i32
      %sign3A_122 = arith.extui %sign3A_121 : i1 to i32
      %sign3A_123 = arith.subi %sign3A_119, %sign3A_122 : i32
      %ne3A_124 = vector.broadcast %sign3A_123 : i32 to vector<16xi32>
      %ne3A_125 = arith.cmpi ne, %sign3A_116, %ne3A_124 : vector<16xi32>
      %rem3A_126 = vector.broadcast %jit3A_105 : i32 to vector<16xi32>
      %rem3A_127 = arith.remsi %add3A_104, %rem3A_126 : vector<16xi32>
      %ne3A_128 = arith.constant 0 : i32
      %ne3A_129 = vector.broadcast %ne3A_128 : i32 to vector<16xi32>
      %ne3A_130 = arith.cmpi ne, %rem3A_127, %ne3A_129 : vector<16xi32>
      %and3A_131 = arith.andi %ne3A_125, %ne3A_130 : vector<16xi1>
      %sub3A_132 = arith.constant 1 : i32
      %sub3A_133 = vector.broadcast %sub3A_132 : i32 to vector<16xi32>
      %sub3A_134 = arith.subi %div3A_107, %sub3A_133 : vector<16xi32>
      %select_n3A_135 = arith.select %and3A_131, %sub3A_134, %div3A_107 : vector<16xi1>, vector<16xi32>
      %mul3A_136 = arith.constant 30 : i32
      %mul3A_137 = vector.broadcast %mul3A_136 : i32 to vector<16xi32>
      %mul3A_138 = arith.muli %select_n3A_135, %mul3A_137 : vector<16xi32>
      %sub3A_139 = arith.subi %add3A_104, %mul3A_138 : vector<16xi32>
      %jit3A_140 = arith.constant 2 : i32
      %div3A_141 = vector.broadcast %jit3A_140 : i32 to vector<16xi32>
      %div3A_142 = arith.divsi %sub3A_139, %div3A_141 : vector<16xi32>
      %sign3A_143 = arith.constant 0 : i32
      %sign3A_144 = vector.broadcast %sign3A_143 : i32 to vector<16xi32>
      %sign3A_145 = arith.cmpi sgt, %sub3A_139, %sign3A_144 : vector<16xi32>
      %sign3A_146 = arith.extui %sign3A_145 : vector<16xi1> to vector<16xi32>
      %sign3A_147 = arith.constant 0 : i32
      %sign3A_148 = vector.broadcast %sign3A_147 : i32 to vector<16xi32>
      %sign3A_149 = arith.cmpi slt, %sub3A_139, %sign3A_148 : vector<16xi32>
      %sign3A_150 = arith.extui %sign3A_149 : vector<16xi1> to vector<16xi32>
      %sign3A_151 = arith.subi %sign3A_146, %sign3A_150 : vector<16xi32>
      %sign3A_152 = arith.constant 0 : i32
      %sign3A_153 = arith.cmpi sgt, %jit3A_140, %sign3A_152 : i32
      %sign3A_154 = arith.extui %sign3A_153 : i1 to i32
      %sign3A_155 = arith.constant 0 : i32
      %sign3A_156 = arith.cmpi slt, %jit3A_140, %sign3A_155 : i32
      %sign3A_157 = arith.extui %sign3A_156 : i1 to i32
      %sign3A_158 = arith.subi %sign3A_154, %sign3A_157 : i32
      %ne3A_159 = vector.broadcast %sign3A_158 : i32 to vector<16xi32>
      %ne3A_160 = arith.cmpi ne, %sign3A_151, %ne3A_159 : vector<16xi32>
      %rem3A_161 = vector.broadcast %jit3A_140 : i32 to vector<16xi32>
      %rem3A_162 = arith.remsi %sub3A_139, %rem3A_161 : vector<16xi32>
      %ne3A_163 = arith.constant 0 : i32
      %ne3A_164 = vector.broadcast %ne3A_163 : i32 to vector<16xi32>
      %ne3A_165 = arith.cmpi ne, %rem3A_162, %ne3A_164 : vector<16xi32>
      %and3A_166 = arith.andi %ne3A_160, %ne3A_165 : vector<16xi1>
      %sub3A_167 = arith.constant 1 : i32
      %sub3A_168 = vector.broadcast %sub3A_167 : i32 to vector<16xi32>
      %sub3A_169 = arith.subi %div3A_142, %sub3A_168 : vector<16xi32>
      %select_n3A_170 = arith.select %and3A_166, %sub3A_169, %div3A_142 : vector<16xi1>, vector<16xi32>
      %mul3A_171 = arith.constant 2 : i32
      %mul3A_172 = vector.broadcast %mul3A_171 : i32 to vector<16xi32>
      %mul3A_173 = arith.muli %select_n3A_170, %mul3A_172 : vector<16xi32>
      %sub3A_174 = arith.subi %sub3A_139, %mul3A_173 : vector<16xi32>
      %gather3A_175 = tpu.vector_load_idx %arg6[%select_n3A_135] : memref<64xi32, #tpu.memory_space<vmem>>[vector<16xi32>], vector<16xi32>,
      %sub3A_176 = arith.constant 8 : i32
      %sub3A_177 = vector.broadcast %sub3A_176 : i32 to vector<16xi32>
      %sub3A_178 = arith.subi %select_n3A_170, %sub3A_177 : vector<16xi32>
      %mul3A_179 = arith.constant 7 : i32
      %mul3A_180 = vector.broadcast %mul3A_179 : i32 to vector<16xi32>
      %mul3A_181 = arith.muli %select_n3A_135, %mul3A_180 : vector<16xi32>
      %max3A_182 = arith.constant 0 : i32
      %max3A_183 = vector.broadcast %max3A_182 : i32 to vector<16xi32>
      %max3A_184 = arith.maxsi %sub3A_178, %max3A_183 : vector<16xi32>
      %add3A_185 = arith.addi %mul3A_181, %max3A_184 : vector<16xi32>
      %gather3A_186 = tpu.vector_load_idx %arg7[%add3A_185] : memref<448xi32, #tpu.memory_space<vmem>>[vector<16xi32>], vector<16xi32>,
      %ge3A_187 = arith.cmpi sge, %sub3A_178, %gather3A_175 : vector<16xi32>
      %convert_element_type3A_188 = arith.extui %ge3A_187 : vector<16xi1> to vector<16xi32>
      %add3A_189 = arith.addi %sub3A_178, %convert_element_type3A_188 : vector<16xi32>
      %ge3A_190 = arith.constant 0 : i32
      %ge3A_191 = vector.broadcast %ge3A_190 : i32 to vector<16xi32>
      %ge3A_192 = arith.cmpi sge, %sub3A_178, %ge3A_191 : vector<16xi32>
      %mul3A_193 = arith.constant 8 : i32
      %mul3A_194 = vector.broadcast %mul3A_193 : i32 to vector<16xi32>
      %mul3A_195 = arith.muli %add3A_189, %mul3A_194 : vector<16xi32>
      %add3A_196 = arith.addi %mul3A_195, %gather3A_186 : vector<16xi32>
      %mul3A_197 = arith.constant 8 : i32
      %mul3A_198 = vector.broadcast %mul3A_197 : i32 to vector<16xi32>
      %mul3A_199 = arith.muli %gather3A_175, %mul3A_198 : vector<16xi32>
      %add3A_200 = arith.addi %mul3A_199, %select_n3A_170 : vector<16xi32>
      %select_n3A_201 = arith.select %ge3A_192, %add3A_196, %add3A_200 : vector<16xi1>, vector<16xi32>
      %eq3A_202 = arith.constant 1 : i32
      %eq3A_203 = vector.broadcast %eq3A_202 : i32 to vector<16xi32>
      %eq3A_204 = arith.cmpi eq, %sub3A_174, %eq3A_203 : vector<16xi32>
      %select_n3A_205 = arith.select %eq3A_204, %select_n3A_201, %select_n3A_135 : vector<16xi1>, vector<16xi32>
      %swap3A_206 = arith.constant 16 : index
      %swap3A_207 = tpu.vector_load %arg8[%swap3A_206] {strides = array<i32>} : memref<64xi32, #tpu.memory_space<vmem>>, vector<16xi32>,
      tpu.vector_store %arg8[%swap3A_206], %select_n3A_205 {strides = array<i32>} : memref<64xi32, #tpu.memory_space<vmem>>, vector<16xi32>,
      %mul3A_208 = arith.constant 64 : i32
      %mul3A_209 = arith.muli %add3A, %mul3A_208 : i32
      %add3A_210 = arith.constant 32 : i32
      %add3A_211 = arith.addi %mul3A_209, %add3A_210 : i32
      %add3A_212 = vector.broadcast %add3A_211 : i32 to vector<16xi32>
      %add3A_213 = arith.addi %add3A_212, %iota3A : vector<16xi32>
      %jit3A_214 = arith.constant 30 : i32
      %div3A_215 = vector.broadcast %jit3A_214 : i32 to vector<16xi32>
      %div3A_216 = arith.divsi %add3A_213, %div3A_215 : vector<16xi32>
      %sign3A_217 = arith.constant 0 : i32
      %sign3A_218 = vector.broadcast %sign3A_217 : i32 to vector<16xi32>
      %sign3A_219 = arith.cmpi sgt, %add3A_213, %sign3A_218 : vector<16xi32>
      %sign3A_220 = arith.extui %sign3A_219 : vector<16xi1> to vector<16xi32>
      %sign3A_221 = arith.constant 0 : i32
      %sign3A_222 = vector.broadcast %sign3A_221 : i32 to vector<16xi32>
      %sign3A_223 = arith.cmpi slt, %add3A_213, %sign3A_222 : vector<16xi32>
      %sign3A_224 = arith.extui %sign3A_223 : vector<16xi1> to vector<16xi32>
      %sign3A_225 = arith.subi %sign3A_220, %sign3A_224 : vector<16xi32>
      %sign3A_226 = arith.constant 0 : i32
      %sign3A_227 = arith.cmpi sgt, %jit3A_214, %sign3A_226 : i32
      %sign3A_228 = arith.extui %sign3A_227 : i1 to i32
      %sign3A_229 = arith.constant 0 : i32
      %sign3A_230 = arith.cmpi slt, %jit3A_214, %sign3A_229 : i32
      %sign3A_231 = arith.extui %sign3A_230 : i1 to i32
      %sign3A_232 = arith.subi %sign3A_228, %sign3A_231 : i32
      %ne3A_233 = vector.broadcast %sign3A_232 : i32 to vector<16xi32>
      %ne3A_234 = arith.cmpi ne, %sign3A_225, %ne3A_233 : vector<16xi32>
      %rem3A_235 = vector.broadcast %jit3A_214 : i32 to vector<16xi32>
      %rem3A_236 = arith.remsi %add3A_213, %rem3A_235 : vector<16xi32>
      %ne3A_237 = arith.constant 0 : i32
      %ne3A_238 = vector.broadcast %ne3A_237 : i32 to vector<16xi32>
      %ne3A_239 = arith.cmpi ne, %rem3A_236, %ne3A_238 : vector<16xi32>
      %and3A_240 = arith.andi %ne3A_234, %ne3A_239 : vector<16xi1>
      %sub3A_241 = arith.constant 1 : i32
      %sub3A_242 = vector.broadcast %sub3A_241 : i32 to vector<16xi32>
      %sub3A_243 = arith.subi %div3A_216, %sub3A_242 : vector<16xi32>
      %select_n3A_244 = arith.select %and3A_240, %sub3A_243, %div3A_216 : vector<16xi1>, vector<16xi32>
      %mul3A_245 = arith.constant 30 : i32
      %mul3A_246 = vector.broadcast %mul3A_245 : i32 to vector<16xi32>
      %mul3A_247 = arith.muli %select_n3A_244, %mul3A_246 : vector<16xi32>
      %sub3A_248 = arith.subi %add3A_213, %mul3A_247 : vector<16xi32>
      %jit3A_249 = arith.constant 2 : i32
      %div3A_250 = vector.broadcast %jit3A_249 : i32 to vector<16xi32>
      %div3A_251 = arith.divsi %sub3A_248, %div3A_250 : vector<16xi32>
      %sign3A_252 = arith.constant 0 : i32
      %sign3A_253 = vector.broadcast %sign3A_252 : i32 to vector<16xi32>
      %sign3A_254 = arith.cmpi sgt, %sub3A_248, %sign3A_253 : vector<16xi32>
      %sign3A_255 = arith.extui %sign3A_254 : vector<16xi1> to vector<16xi32>
      %sign3A_256 = arith.constant 0 : i32
      %sign3A_257 = vector.broadcast %sign3A_256 : i32 to vector<16xi32>
      %sign3A_258 = arith.cmpi slt, %sub3A_248, %sign3A_257 : vector<16xi32>
      %sign3A_259 = arith.extui %sign3A_258 : vector<16xi1> to vector<16xi32>
      %sign3A_260 = arith.subi %sign3A_255, %sign3A_259 : vector<16xi32>
      %sign3A_261 = arith.constant 0 : i32
      %sign3A_262 = arith.cmpi sgt, %jit3A_249, %sign3A_261 : i32
      %sign3A_263 = arith.extui %sign3A_262 : i1 to i32
      %sign3A_264 = arith.constant 0 : i32
      %sign3A_265 = arith.cmpi slt, %jit3A_249, %sign3A_264 : i32
      %sign3A_266 = arith.extui %sign3A_265 : i1 to i32
      %sign3A_267 = arith.subi %sign3A_263, %sign3A_266 : i32
      %ne3A_268 = vector.broadcast %sign3A_267 : i32 to vector<16xi32>
      %ne3A_269 = arith.cmpi ne, %sign3A_260, %ne3A_268 : vector<16xi32>
      %rem3A_270 = vector.broadcast %jit3A_249 : i32 to vector<16xi32>
      %rem3A_271 = arith.remsi %sub3A_248, %rem3A_270 : vector<16xi32>
      %ne3A_272 = arith.constant 0 : i32
      %ne3A_273 = vector.broadcast %ne3A_272 : i32 to vector<16xi32>
      %ne3A_274 = arith.cmpi ne, %rem3A_271, %ne3A_273 : vector<16xi32>
      %and3A_275 = arith.andi %ne3A_269, %ne3A_274 : vector<16xi1>
      %sub3A_276 = arith.constant 1 : i32
      %sub3A_277 = vector.broadcast %sub3A_276 : i32 to vector<16xi32>
      %sub3A_278 = arith.subi %div3A_251, %sub3A_277 : vector<16xi32>
      %select_n3A_279 = arith.select %and3A_275, %sub3A_278, %div3A_251 : vector<16xi1>, vector<16xi32>
      %mul3A_280 = arith.constant 2 : i32
      %mul3A_281 = vector.broadcast %mul3A_280 : i32 to vector<16xi32>
      %mul3A_282 = arith.muli %select_n3A_279, %mul3A_281 : vector<16xi32>
      %sub3A_283 = arith.subi %sub3A_248, %mul3A_282 : vector<16xi32>
      %gather3A_284 = tpu.vector_load_idx %arg6[%select_n3A_244] : memref<64xi32, #tpu.memory_space<vmem>>[vector<16xi32>], vector<16xi32>,
      %sub3A_285 = arith.constant 8 : i32
      %sub3A_286 = vector.broadcast %sub3A_285 : i32 to vector<16xi32>
      %sub3A_287 = arith.subi %select_n3A_279, %sub3A_286 : vector<16xi32>
      %mul3A_288 = arith.constant 7 : i32
      %mul3A_289 = vector.broadcast %mul3A_288 : i32 to vector<16xi32>
      %mul3A_290 = arith.muli %select_n3A_244, %mul3A_289 : vector<16xi32>
      %max3A_291 = arith.constant 0 : i32
      %max3A_292 = vector.broadcast %max3A_291 : i32 to vector<16xi32>
      %max3A_293 = arith.maxsi %sub3A_287, %max3A_292 : vector<16xi32>
      %add3A_294 = arith.addi %mul3A_290, %max3A_293 : vector<16xi32>
      %gather3A_295 = tpu.vector_load_idx %arg7[%add3A_294] : memref<448xi32, #tpu.memory_space<vmem>>[vector<16xi32>], vector<16xi32>,
      %ge3A_296 = arith.cmpi sge, %sub3A_287, %gather3A_284 : vector<16xi32>
      %convert_element_type3A_297 = arith.extui %ge3A_296 : vector<16xi1> to vector<16xi32>
      %add3A_298 = arith.addi %sub3A_287, %convert_element_type3A_297 : vector<16xi32>
      %ge3A_299 = arith.constant 0 : i32
      %ge3A_300 = vector.broadcast %ge3A_299 : i32 to vector<16xi32>
      %ge3A_301 = arith.cmpi sge, %sub3A_287, %ge3A_300 : vector<16xi32>
      %mul3A_302 = arith.constant 8 : i32
      %mul3A_303 = vector.broadcast %mul3A_302 : i32 to vector<16xi32>
      %mul3A_304 = arith.muli %add3A_298, %mul3A_303 : vector<16xi32>
      %add3A_305 = arith.addi %mul3A_304, %gather3A_295 : vector<16xi32>
      %mul3A_306 = arith.constant 8 : i32
      %mul3A_307 = vector.broadcast %mul3A_306 : i32 to vector<16xi32>
      %mul3A_308 = arith.muli %gather3A_284, %mul3A_307 : vector<16xi32>
      %add3A_309 = arith.addi %mul3A_308, %select_n3A_279 : vector<16xi32>
      %select_n3A_310 = arith.select %ge3A_301, %add3A_305, %add3A_309 : vector<16xi1>, vector<16xi32>
      %eq3A_311 = arith.constant 1 : i32
      %eq3A_312 = vector.broadcast %eq3A_311 : i32 to vector<16xi32>
      %eq3A_313 = arith.cmpi eq, %sub3A_283, %eq3A_312 : vector<16xi32>
      %select_n3A_314 = arith.select %eq3A_313, %select_n3A_310, %select_n3A_244 : vector<16xi1>, vector<16xi32>
      %swap3A_315 = arith.constant 32 : index
      %swap3A_316 = tpu.vector_load %arg8[%swap3A_315] {strides = array<i32>} : memref<64xi32, #tpu.memory_space<vmem>>, vector<16xi32>,
      tpu.vector_store %arg8[%swap3A_315], %select_n3A_314 {strides = array<i32>} : memref<64xi32, #tpu.memory_space<vmem>>, vector<16xi32>,
      %mul3A_317 = arith.constant 64 : i32
      %mul3A_318 = arith.muli %add3A, %mul3A_317 : i32
      %add3A_319 = arith.constant 48 : i32
      %add3A_320 = arith.addi %mul3A_318, %add3A_319 : i32
      %add3A_321 = vector.broadcast %add3A_320 : i32 to vector<16xi32>
      %add3A_322 = arith.addi %add3A_321, %iota3A : vector<16xi32>
      %jit3A_323 = arith.constant 30 : i32
      %div3A_324 = vector.broadcast %jit3A_323 : i32 to vector<16xi32>
      %div3A_325 = arith.divsi %add3A_322, %div3A_324 : vector<16xi32>
      %sign3A_326 = arith.constant 0 : i32
      %sign3A_327 = vector.broadcast %sign3A_326 : i32 to vector<16xi32>
      %sign3A_328 = arith.cmpi sgt, %add3A_322, %sign3A_327 : vector<16xi32>
      %sign3A_329 = arith.extui %sign3A_328 : vector<16xi1> to vector<16xi32>
      %sign3A_330 = arith.constant 0 : i32
      %sign3A_331 = vector.broadcast %sign3A_330 : i32 to vector<16xi32>
      %sign3A_332 = arith.cmpi slt, %add3A_322, %sign3A_331 : vector<16xi32>
      %sign3A_333 = arith.extui %sign3A_332 : vector<16xi1> to vector<16xi32>
      %sign3A_334 = arith.subi %sign3A_329, %sign3A_333 : vector<16xi32>
      %sign3A_335 = arith.constant 0 : i32
      %sign3A_336 = arith.cmpi sgt, %jit3A_323, %sign3A_335 : i32
      %sign3A_337 = arith.extui %sign3A_336 : i1 to i32
      %sign3A_338 = arith.constant 0 : i32
      %sign3A_339 = arith.cmpi slt, %jit3A_323, %sign3A_338 : i32
      %sign3A_340 = arith.extui %sign3A_339 : i1 to i32
      %sign3A_341 = arith.subi %sign3A_337, %sign3A_340 : i32
      %ne3A_342 = vector.broadcast %sign3A_341 : i32 to vector<16xi32>
      %ne3A_343 = arith.cmpi ne, %sign3A_334, %ne3A_342 : vector<16xi32>
      %rem3A_344 = vector.broadcast %jit3A_323 : i32 to vector<16xi32>
      %rem3A_345 = arith.remsi %add3A_322, %rem3A_344 : vector<16xi32>
      %ne3A_346 = arith.constant 0 : i32
      %ne3A_347 = vector.broadcast %ne3A_346 : i32 to vector<16xi32>
      %ne3A_348 = arith.cmpi ne, %rem3A_345, %ne3A_347 : vector<16xi32>
      %and3A_349 = arith.andi %ne3A_343, %ne3A_348 : vector<16xi1>
      %sub3A_350 = arith.constant 1 : i32
      %sub3A_351 = vector.broadcast %sub3A_350 : i32 to vector<16xi32>
      %sub3A_352 = arith.subi %div3A_325, %sub3A_351 : vector<16xi32>
      %select_n3A_353 = arith.select %and3A_349, %sub3A_352, %div3A_325 : vector<16xi1>, vector<16xi32>
      %mul3A_354 = arith.constant 30 : i32
      %mul3A_355 = vector.broadcast %mul3A_354 : i32 to vector<16xi32>
      %mul3A_356 = arith.muli %select_n3A_353, %mul3A_355 : vector<16xi32>
      %sub3A_357 = arith.subi %add3A_322, %mul3A_356 : vector<16xi32>
      %jit3A_358 = arith.constant 2 : i32
      %div3A_359 = vector.broadcast %jit3A_358 : i32 to vector<16xi32>
      %div3A_360 = arith.divsi %sub3A_357, %div3A_359 : vector<16xi32>
      %sign3A_361 = arith.constant 0 : i32
      %sign3A_362 = vector.broadcast %sign3A_361 : i32 to vector<16xi32>
      %sign3A_363 = arith.cmpi sgt, %sub3A_357, %sign3A_362 : vector<16xi32>
      %sign3A_364 = arith.extui %sign3A_363 : vector<16xi1> to vector<16xi32>
      %sign3A_365 = arith.constant 0 : i32
      %sign3A_366 = vector.broadcast %sign3A_365 : i32 to vector<16xi32>
      %sign3A_367 = arith.cmpi slt, %sub3A_357, %sign3A_366 : vector<16xi32>
      %sign3A_368 = arith.extui %sign3A_367 : vector<16xi1> to vector<16xi32>
      %sign3A_369 = arith.subi %sign3A_364, %sign3A_368 : vector<16xi32>
      %sign3A_370 = arith.constant 0 : i32
      %sign3A_371 = arith.cmpi sgt, %jit3A_358, %sign3A_370 : i32
      %sign3A_372 = arith.extui %sign3A_371 : i1 to i32
      %sign3A_373 = arith.constant 0 : i32
      %sign3A_374 = arith.cmpi slt, %jit3A_358, %sign3A_373 : i32
      %sign3A_375 = arith.extui %sign3A_374 : i1 to i32
      %sign3A_376 = arith.subi %sign3A_372, %sign3A_375 : i32
      %ne3A_377 = vector.broadcast %sign3A_376 : i32 to vector<16xi32>
      %ne3A_378 = arith.cmpi ne, %sign3A_369, %ne3A_377 : vector<16xi32>
      %rem3A_379 = vector.broadcast %jit3A_358 : i32 to vector<16xi32>
      %rem3A_380 = arith.remsi %sub3A_357, %rem3A_379 : vector<16xi32>
      %ne3A_381 = arith.constant 0 : i32
      %ne3A_382 = vector.broadcast %ne3A_381 : i32 to vector<16xi32>
      %ne3A_383 = arith.cmpi ne, %rem3A_380, %ne3A_382 : vector<16xi32>
      %and3A_384 = arith.andi %ne3A_378, %ne3A_383 : vector<16xi1>
      %sub3A_385 = arith.constant 1 : i32
      %sub3A_386 = vector.broadcast %sub3A_385 : i32 to vector<16xi32>
      %sub3A_387 = arith.subi %div3A_360, %sub3A_386 : vector<16xi32>
      %select_n3A_388 = arith.select %and3A_384, %sub3A_387, %div3A_360 : vector<16xi1>, vector<16xi32>
      %mul3A_389 = arith.constant 2 : i32
      %mul3A_390 = vector.broadcast %mul3A_389 : i32 to vector<16xi32>
      %mul3A_391 = arith.muli %select_n3A_388, %mul3A_390 : vector<16xi32>
      %sub3A_392 = arith.subi %sub3A_357, %mul3A_391 : vector<16xi32>
      %gather3A_393 = tpu.vector_load_idx %arg6[%select_n3A_353] : memref<64xi32, #tpu.memory_space<vmem>>[vector<16xi32>], vector<16xi32>,
      %sub3A_394 = arith.constant 8 : i32
      %sub3A_395 = vector.broadcast %sub3A_394 : i32 to vector<16xi32>
      %sub3A_396 = arith.subi %select_n3A_388, %sub3A_395 : vector<16xi32>
      %mul3A_397 = arith.constant 7 : i32
      %mul3A_398 = vector.broadcast %mul3A_397 : i32 to vector<16xi32>
      %mul3A_399 = arith.muli %select_n3A_353, %mul3A_398 : vector<16xi32>
      %max3A_400 = arith.constant 0 : i32
      %max3A_401 = vector.broadcast %max3A_400 : i32 to vector<16xi32>
      %max3A_402 = arith.maxsi %sub3A_396, %max3A_401 : vector<16xi32>
      %add3A_403 = arith.addi %mul3A_399, %max3A_402 : vector<16xi32>
      %gather3A_404 = tpu.vector_load_idx %arg7[%add3A_403] : memref<448xi32, #tpu.memory_space<vmem>>[vector<16xi32>], vector<16xi32>,
      %ge3A_405 = arith.cmpi sge, %sub3A_396, %gather3A_393 : vector<16xi32>
      %convert_element_type3A_406 = arith.extui %ge3A_405 : vector<16xi1> to vector<16xi32>
      %add3A_407 = arith.addi %sub3A_396, %convert_element_type3A_406 : vector<16xi32>
      %ge3A_408 = arith.constant 0 : i32
      %ge3A_409 = vector.broadcast %ge3A_408 : i32 to vector<16xi32>
      %ge3A_410 = arith.cmpi sge, %sub3A_396, %ge3A_409 : vector<16xi32>
      %mul3A_411 = arith.constant 8 : i32
      %mul3A_412 = vector.broadcast %mul3A_411 : i32 to vector<16xi32>
      %mul3A_413 = arith.muli %add3A_407, %mul3A_412 : vector<16xi32>
      %add3A_414 = arith.addi %mul3A_413, %gather3A_404 : vector<16xi32>
      %mul3A_415 = arith.constant 8 : i32
      %mul3A_416 = vector.broadcast %mul3A_415 : i32 to vector<16xi32>
      %mul3A_417 = arith.muli %gather3A_393, %mul3A_416 : vector<16xi32>
      %add3A_418 = arith.addi %mul3A_417, %select_n3A_388 : vector<16xi32>
      %select_n3A_419 = arith.select %ge3A_410, %add3A_414, %add3A_418 : vector<16xi1>, vector<16xi32>
      %eq3A_420 = arith.constant 1 : i32
      %eq3A_421 = vector.broadcast %eq3A_420 : i32 to vector<16xi32>
      %eq3A_422 = arith.cmpi eq, %sub3A_392, %eq3A_421 : vector<16xi32>
      %select_n3A_423 = arith.select %eq3A_422, %select_n3A_419, %select_n3A_353 : vector<16xi1>, vector<16xi32>
      %swap3A_424 = arith.constant 48 : index
      %swap3A_425 = tpu.vector_load %arg8[%swap3A_424] {strides = array<i32>} : memref<64xi32, #tpu.memory_space<vmem>>, vector<16xi32>,
      tpu.vector_store %arg8[%swap3A_424], %select_n3A_423 {strides = array<i32>} : memref<64xi32, #tpu.memory_space<vmem>>, vector<16xi32>,
      %add3A_426 = arith.constant 0 : i32
      %add3A_427 = vector.broadcast %add3A_426 : i32 to vector<16xi32>
      %add3A_428 = arith.addi %add3A_427, %iota3A : vector<16xi32>
      %swap3A_429 = arith.constant 0 : index
      %swap3A_430 = tpu.vector_load %arg9[%swap3A_429] {strides = array<i32>} : memref<512xi32, #tpu.memory_space<vmem>>, vector<16xi32>,
      tpu.vector_store %arg9[%swap3A_429], %add3A_428 {strides = array<i32>} : memref<512xi32, #tpu.memory_space<vmem>>, vector<16xi32>,
      %add3A_431 = arith.constant 16 : i32
      %add3A_432 = vector.broadcast %add3A_431 : i32 to vector<16xi32>
      %add3A_433 = arith.addi %add3A_432, %iota3A : vector<16xi32>
      %swap3A_434 = arith.constant 16 : index
      %swap3A_435 = tpu.vector_load %arg9[%swap3A_434] {strides = array<i32>} : memref<512xi32, #tpu.memory_space<vmem>>, vector<16xi32>,
      tpu.vector_store %arg9[%swap3A_434], %add3A_433 {strides = array<i32>} : memref<512xi32, #tpu.memory_space<vmem>>, vector<16xi32>,
      %add3A_436 = arith.constant 32 : i32
      %add3A_437 = vector.broadcast %add3A_436 : i32 to vector<16xi32>
      %add3A_438 = arith.addi %add3A_437, %iota3A : vector<16xi32>
      %swap3A_439 = arith.constant 32 : index
      %swap3A_440 = tpu.vector_load %arg9[%swap3A_439] {strides = array<i32>} : memref<512xi32, #tpu.memory_space<vmem>>, vector<16xi32>,
      tpu.vector_store %arg9[%swap3A_439], %add3A_438 {strides = array<i32>} : memref<512xi32, #tpu.memory_space<vmem>>, vector<16xi32>,
      %add3A_441 = arith.constant 48 : i32
      %add3A_442 = vector.broadcast %add3A_441 : i32 to vector<16xi32>
      %add3A_443 = arith.addi %add3A_442, %iota3A : vector<16xi32>
      %swap3A_444 = arith.constant 48 : index
      %swap3A_445 = tpu.vector_load %arg9[%swap3A_444] {strides = array<i32>} : memref<512xi32, #tpu.memory_space<vmem>>, vector<16xi32>,
      tpu.vector_store %arg9[%swap3A_444], %add3A_443 {strides = array<i32>} : memref<512xi32, #tpu.memory_space<vmem>>, vector<16xi32>,
      %add3A_446 = arith.constant 64 : i32
      %add3A_447 = vector.broadcast %add3A_446 : i32 to vector<16xi32>
      %add3A_448 = arith.addi %add3A_447, %iota3A : vector<16xi32>
      %swap3A_449 = arith.constant 64 : index
      %swap3A_450 = tpu.vector_load %arg9[%swap3A_449] {strides = array<i32>} : memref<512xi32, #tpu.memory_space<vmem>>, vector<16xi32>,
      tpu.vector_store %arg9[%swap3A_449], %add3A_448 {strides = array<i32>} : memref<512xi32, #tpu.memory_space<vmem>>, vector<16xi32>,
      %add3A_451 = arith.constant 80 : i32
      %add3A_452 = vector.broadcast %add3A_451 : i32 to vector<16xi32>
      %add3A_453 = arith.addi %add3A_452, %iota3A : vector<16xi32>
      %swap3A_454 = arith.constant 80 : index
      %swap3A_455 = tpu.vector_load %arg9[%swap3A_454] {strides = array<i32>} : memref<512xi32, #tpu.memory_space<vmem>>, vector<16xi32>,
      tpu.vector_store %arg9[%swap3A_454], %add3A_453 {strides = array<i32>} : memref<512xi32, #tpu.memory_space<vmem>>, vector<16xi32>,
      %add3A_456 = arith.constant 96 : i32
      %add3A_457 = vector.broadcast %add3A_456 : i32 to vector<16xi32>
      %add3A_458 = arith.addi %add3A_457, %iota3A : vector<16xi32>
      %swap3A_459 = arith.constant 96 : index
      %swap3A_460 = tpu.vector_load %arg9[%swap3A_459] {strides = array<i32>} : memref<512xi32, #tpu.memory_space<vmem>>, vector<16xi32>,
      tpu.vector_store %arg9[%swap3A_459], %add3A_458 {strides = array<i32>} : memref<512xi32, #tpu.memory_space<vmem>>, vector<16xi32>,
      %add3A_461 = arith.constant 112 : i32
      %add3A_462 = vector.broadcast %add3A_461 : i32 to vector<16xi32>
      %add3A_463 = arith.addi %add3A_462, %iota3A : vector<16xi32>
      %swap3A_464 = arith.constant 112 : index
      %swap3A_465 = tpu.vector_load %arg9[%swap3A_464] {strides = array<i32>} : memref<512xi32, #tpu.memory_space<vmem>>, vector<16xi32>,
      tpu.vector_store %arg9[%swap3A_464], %add3A_463 {strides = array<i32>} : memref<512xi32, #tpu.memory_space<vmem>>, vector<16xi32>,
      %add3A_466 = arith.constant 128 : i32
      %add3A_467 = vector.broadcast %add3A_466 : i32 to vector<16xi32>
      %add3A_468 = arith.addi %add3A_467, %iota3A : vector<16xi32>
      %swap3A_469 = arith.constant 128 : index
      %swap3A_470 = tpu.vector_load %arg9[%swap3A_469] {strides = array<i32>} : memref<512xi32, #tpu.memory_space<vmem>>, vector<16xi32>,
      tpu.vector_store %arg9[%swap3A_469], %add3A_468 {strides = array<i32>} : memref<512xi32, #tpu.memory_space<vmem>>, vector<16xi32>,
      %add3A_471 = arith.constant 144 : i32
      %add3A_472 = vector.broadcast %add3A_471 : i32 to vector<16xi32>
      %add3A_473 = arith.addi %add3A_472, %iota3A : vector<16xi32>
      %swap3A_474 = arith.constant 144 : index
      %swap3A_475 = tpu.vector_load %arg9[%swap3A_474] {strides = array<i32>} : memref<512xi32, #tpu.memory_space<vmem>>, vector<16xi32>,
      tpu.vector_store %arg9[%swap3A_474], %add3A_473 {strides = array<i32>} : memref<512xi32, #tpu.memory_space<vmem>>, vector<16xi32>,
      %add3A_476 = arith.constant 160 : i32
      %add3A_477 = vector.broadcast %add3A_476 : i32 to vector<16xi32>
      %add3A_478 = arith.addi %add3A_477, %iota3A : vector<16xi32>
      %swap3A_479 = arith.constant 160 : index
      %swap3A_480 = tpu.vector_load %arg9[%swap3A_479] {strides = array<i32>} : memref<512xi32, #tpu.memory_space<vmem>>, vector<16xi32>,
      tpu.vector_store %arg9[%swap3A_479], %add3A_478 {strides = array<i32>} : memref<512xi32, #tpu.memory_space<vmem>>, vector<16xi32>,
      %add3A_481 = arith.constant 176 : i32
      %add3A_482 = vector.broadcast %add3A_481 : i32 to vector<16xi32>
      %add3A_483 = arith.addi %add3A_482, %iota3A : vector<16xi32>
      %swap3A_484 = arith.constant 176 : index
      %swap3A_485 = tpu.vector_load %arg9[%swap3A_484] {strides = array<i32>} : memref<512xi32, #tpu.memory_space<vmem>>, vector<16xi32>,
      tpu.vector_store %arg9[%swap3A_484], %add3A_483 {strides = array<i32>} : memref<512xi32, #tpu.memory_space<vmem>>, vector<16xi32>,
      %add3A_486 = arith.constant 192 : i32
      %add3A_487 = vector.broadcast %add3A_486 : i32 to vector<16xi32>
      %add3A_488 = arith.addi %add3A_487, %iota3A : vector<16xi32>
      %swap3A_489 = arith.constant 192 : index
      %swap3A_490 = tpu.vector_load %arg9[%swap3A_489] {strides = array<i32>} : memref<512xi32, #tpu.memory_space<vmem>>, vector<16xi32>,
      tpu.vector_store %arg9[%swap3A_489], %add3A_488 {strides = array<i32>} : memref<512xi32, #tpu.memory_space<vmem>>, vector<16xi32>,
      %add3A_491 = arith.constant 208 : i32
      %add3A_492 = vector.broadcast %add3A_491 : i32 to vector<16xi32>
      %add3A_493 = arith.addi %add3A_492, %iota3A : vector<16xi32>
      %swap3A_494 = arith.constant 208 : index
      %swap3A_495 = tpu.vector_load %arg9[%swap3A_494] {strides = array<i32>} : memref<512xi32, #tpu.memory_space<vmem>>, vector<16xi32>,
      tpu.vector_store %arg9[%swap3A_494], %add3A_493 {strides = array<i32>} : memref<512xi32, #tpu.memory_space<vmem>>, vector<16xi32>,
      %add3A_496 = arith.constant 224 : i32
      %add3A_497 = vector.broadcast %add3A_496 : i32 to vector<16xi32>
      %add3A_498 = arith.addi %add3A_497, %iota3A : vector<16xi32>
      %swap3A_499 = arith.constant 224 : index
      %swap3A_500 = tpu.vector_load %arg9[%swap3A_499] {strides = array<i32>} : memref<512xi32, #tpu.memory_space<vmem>>, vector<16xi32>,
      tpu.vector_store %arg9[%swap3A_499], %add3A_498 {strides = array<i32>} : memref<512xi32, #tpu.memory_space<vmem>>, vector<16xi32>,
      %add3A_501 = arith.constant 240 : i32
      %add3A_502 = vector.broadcast %add3A_501 : i32 to vector<16xi32>
      %add3A_503 = arith.addi %add3A_502, %iota3A : vector<16xi32>
      %swap3A_504 = arith.constant 240 : index
      %swap3A_505 = tpu.vector_load %arg9[%swap3A_504] {strides = array<i32>} : memref<512xi32, #tpu.memory_space<vmem>>, vector<16xi32>,
      tpu.vector_store %arg9[%swap3A_504], %add3A_503 {strides = array<i32>} : memref<512xi32, #tpu.memory_space<vmem>>, vector<16xi32>,
      %add3A_506 = arith.constant 256 : i32
      %add3A_507 = vector.broadcast %add3A_506 : i32 to vector<16xi32>
      %add3A_508 = arith.addi %add3A_507, %iota3A : vector<16xi32>
      %swap3A_509 = arith.constant 256 : index
      %swap3A_510 = tpu.vector_load %arg9[%swap3A_509] {strides = array<i32>} : memref<512xi32, #tpu.memory_space<vmem>>, vector<16xi32>,
      tpu.vector_store %arg9[%swap3A_509], %add3A_508 {strides = array<i32>} : memref<512xi32, #tpu.memory_space<vmem>>, vector<16xi32>,
      %add3A_511 = arith.constant 272 : i32
      %add3A_512 = vector.broadcast %add3A_511 : i32 to vector<16xi32>
      %add3A_513 = arith.addi %add3A_512, %iota3A : vector<16xi32>
      %swap3A_514 = arith.constant 272 : index
      %swap3A_515 = tpu.vector_load %arg9[%swap3A_514] {strides = array<i32>} : memref<512xi32, #tpu.memory_space<vmem>>, vector<16xi32>,
      tpu.vector_store %arg9[%swap3A_514], %add3A_513 {strides = array<i32>} : memref<512xi32, #tpu.memory_space<vmem>>, vector<16xi32>,
      %add3A_516 = arith.constant 288 : i32
      %add3A_517 = vector.broadcast %add3A_516 : i32 to vector<16xi32>
      %add3A_518 = arith.addi %add3A_517, %iota3A : vector<16xi32>
      %swap3A_519 = arith.constant 288 : index
      %swap3A_520 = tpu.vector_load %arg9[%swap3A_519] {strides = array<i32>} : memref<512xi32, #tpu.memory_space<vmem>>, vector<16xi32>,
      tpu.vector_store %arg9[%swap3A_519], %add3A_518 {strides = array<i32>} : memref<512xi32, #tpu.memory_space<vmem>>, vector<16xi32>,
      %add3A_521 = arith.constant 304 : i32
      %add3A_522 = vector.broadcast %add3A_521 : i32 to vector<16xi32>
      %add3A_523 = arith.addi %add3A_522, %iota3A : vector<16xi32>
      %swap3A_524 = arith.constant 304 : index
      %swap3A_525 = tpu.vector_load %arg9[%swap3A_524] {strides = array<i32>} : memref<512xi32, #tpu.memory_space<vmem>>, vector<16xi32>,
      tpu.vector_store %arg9[%swap3A_524], %add3A_523 {strides = array<i32>} : memref<512xi32, #tpu.memory_space<vmem>>, vector<16xi32>,
      %add3A_526 = arith.constant 320 : i32
      %add3A_527 = vector.broadcast %add3A_526 : i32 to vector<16xi32>
      %add3A_528 = arith.addi %add3A_527, %iota3A : vector<16xi32>
      %swap3A_529 = arith.constant 320 : index
      %swap3A_530 = tpu.vector_load %arg9[%swap3A_529] {strides = array<i32>} : memref<512xi32, #tpu.memory_space<vmem>>, vector<16xi32>,
      tpu.vector_store %arg9[%swap3A_529], %add3A_528 {strides = array<i32>} : memref<512xi32, #tpu.memory_space<vmem>>, vector<16xi32>,
      %add3A_531 = arith.constant 336 : i32
      %add3A_532 = vector.broadcast %add3A_531 : i32 to vector<16xi32>
      %add3A_533 = arith.addi %add3A_532, %iota3A : vector<16xi32>
      %swap3A_534 = arith.constant 336 : index
      %swap3A_535 = tpu.vector_load %arg9[%swap3A_534] {strides = array<i32>} : memref<512xi32, #tpu.memory_space<vmem>>, vector<16xi32>,
      tpu.vector_store %arg9[%swap3A_534], %add3A_533 {strides = array<i32>} : memref<512xi32, #tpu.memory_space<vmem>>, vector<16xi32>,
      %add3A_536 = arith.constant 352 : i32
      %add3A_537 = vector.broadcast %add3A_536 : i32 to vector<16xi32>
      %add3A_538 = arith.addi %add3A_537, %iota3A : vector<16xi32>
      %swap3A_539 = arith.constant 352 : index
      %swap3A_540 = tpu.vector_load %arg9[%swap3A_539] {strides = array<i32>} : memref<512xi32, #tpu.memory_space<vmem>>, vector<16xi32>,
      tpu.vector_store %arg9[%swap3A_539], %add3A_538 {strides = array<i32>} : memref<512xi32, #tpu.memory_space<vmem>>, vector<16xi32>,
      %add3A_541 = arith.constant 368 : i32
      %add3A_542 = vector.broadcast %add3A_541 : i32 to vector<16xi32>
      %add3A_543 = arith.addi %add3A_542, %iota3A : vector<16xi32>
      %swap3A_544 = arith.constant 368 : index
      %swap3A_545 = tpu.vector_load %arg9[%swap3A_544] {strides = array<i32>} : memref<512xi32, #tpu.memory_space<vmem>>, vector<16xi32>,
      tpu.vector_store %arg9[%swap3A_544], %add3A_543 {strides = array<i32>} : memref<512xi32, #tpu.memory_space<vmem>>, vector<16xi32>,
      %add3A_546 = arith.constant 384 : i32
      %add3A_547 = vector.broadcast %add3A_546 : i32 to vector<16xi32>
      %add3A_548 = arith.addi %add3A_547, %iota3A : vector<16xi32>
      %swap3A_549 = arith.constant 384 : index
      %swap3A_550 = tpu.vector_load %arg9[%swap3A_549] {strides = array<i32>} : memref<512xi32, #tpu.memory_space<vmem>>, vector<16xi32>,
      tpu.vector_store %arg9[%swap3A_549], %add3A_548 {strides = array<i32>} : memref<512xi32, #tpu.memory_space<vmem>>, vector<16xi32>,
      %add3A_551 = arith.constant 400 : i32
      %add3A_552 = vector.broadcast %add3A_551 : i32 to vector<16xi32>
      %add3A_553 = arith.addi %add3A_552, %iota3A : vector<16xi32>
      %swap3A_554 = arith.constant 400 : index
      %swap3A_555 = tpu.vector_load %arg9[%swap3A_554] {strides = array<i32>} : memref<512xi32, #tpu.memory_space<vmem>>, vector<16xi32>,
      tpu.vector_store %arg9[%swap3A_554], %add3A_553 {strides = array<i32>} : memref<512xi32, #tpu.memory_space<vmem>>, vector<16xi32>,
      %add3A_556 = arith.constant 416 : i32
      %add3A_557 = vector.broadcast %add3A_556 : i32 to vector<16xi32>
      %add3A_558 = arith.addi %add3A_557, %iota3A : vector<16xi32>
      %swap3A_559 = arith.constant 416 : index
      %swap3A_560 = tpu.vector_load %arg9[%swap3A_559] {strides = array<i32>} : memref<512xi32, #tpu.memory_space<vmem>>, vector<16xi32>,
      tpu.vector_store %arg9[%swap3A_559], %add3A_558 {strides = array<i32>} : memref<512xi32, #tpu.memory_space<vmem>>, vector<16xi32>,
      %add3A_561 = arith.constant 432 : i32
      %add3A_562 = vector.broadcast %add3A_561 : i32 to vector<16xi32>
      %add3A_563 = arith.addi %add3A_562, %iota3A : vector<16xi32>
      %swap3A_564 = arith.constant 432 : index
      %swap3A_565 = tpu.vector_load %arg9[%swap3A_564] {strides = array<i32>} : memref<512xi32, #tpu.memory_space<vmem>>, vector<16xi32>,
      tpu.vector_store %arg9[%swap3A_564], %add3A_563 {strides = array<i32>} : memref<512xi32, #tpu.memory_space<vmem>>, vector<16xi32>,
      %add3A_566 = arith.constant 448 : i32
      %add3A_567 = vector.broadcast %add3A_566 : i32 to vector<16xi32>
      %add3A_568 = arith.addi %add3A_567, %iota3A : vector<16xi32>
      %swap3A_569 = arith.constant 448 : index
      %swap3A_570 = tpu.vector_load %arg9[%swap3A_569] {strides = array<i32>} : memref<512xi32, #tpu.memory_space<vmem>>, vector<16xi32>,
      tpu.vector_store %arg9[%swap3A_569], %add3A_568 {strides = array<i32>} : memref<512xi32, #tpu.memory_space<vmem>>, vector<16xi32>,
      %add3A_571 = arith.constant 464 : i32
      %add3A_572 = vector.broadcast %add3A_571 : i32 to vector<16xi32>
      %add3A_573 = arith.addi %add3A_572, %iota3A : vector<16xi32>
      %swap3A_574 = arith.constant 464 : index
      %swap3A_575 = tpu.vector_load %arg9[%swap3A_574] {strides = array<i32>} : memref<512xi32, #tpu.memory_space<vmem>>, vector<16xi32>,
      tpu.vector_store %arg9[%swap3A_574], %add3A_573 {strides = array<i32>} : memref<512xi32, #tpu.memory_space<vmem>>, vector<16xi32>,
      %add3A_576 = arith.constant 480 : i32
      %add3A_577 = vector.broadcast %add3A_576 : i32 to vector<16xi32>
      %add3A_578 = arith.addi %add3A_577, %iota3A : vector<16xi32>
      %swap3A_579 = arith.constant 480 : index
      %swap3A_580 = tpu.vector_load %arg9[%swap3A_579] {strides = array<i32>} : memref<512xi32, #tpu.memory_space<vmem>>, vector<16xi32>,
      tpu.vector_store %arg9[%swap3A_579], %add3A_578 {strides = array<i32>} : memref<512xi32, #tpu.memory_space<vmem>>, vector<16xi32>,
      %add3A_581 = arith.constant 484 : i32
      %add3A_582 = vector.broadcast %add3A_581 : i32 to vector<16xi32>
      %add3A_583 = arith.addi %add3A_582, %iota3A : vector<16xi32>
      %swap3A_584 = arith.constant 496 : index
      %swap3A_585 = tpu.vector_load %arg9[%swap3A_584] {strides = array<i32>} : memref<512xi32, #tpu.memory_space<vmem>>, vector<16xi32>,
      tpu.vector_store %arg9[%swap3A_584], %add3A_583 {strides = array<i32>} : memref<512xi32, #tpu.memory_space<vmem>>, vector<16xi32>,
      tpu.wait_dma2 semaphore(%arg12 : memref<!tpu.dma_semaphore, #tpu.memory_space<semaphore_mem>>) src(%arg2 : memref<64x500xf32, #tpu.memory_space<hbm>>) dst(%arg10 : memref<64x500xf32, #tpu.memory_space<vmem>>)
      %parallel_loop3A = arith.constant 0 : i32
      %parallel_loop3A_586 = arith.constant 32 : i32
      %parallel_loop3A_587 = arith.constant 1 : i32
      scf.for %parallel_loop3A_637 = %parallel_loop3A to %parallel_loop3A_586 step %parallel_loop3A_587  : i32 {
        %parallel_loop3A_638 = arith.constant 0 : i32
        %parallel_loop3A_639 = arith.addi %parallel_loop3A_638, %parallel_loop3A_637 : i32
        %parallel_loop3A_640 = vector.broadcast %parallel_loop3A_639 : i32 to vector<16xi32>
        %parallel_loop3A_641 = tpu.vector_load_idx %arg8[%parallel_loop3A_640] : memref<64xi32, #tpu.memory_space<vmem>>[vector<16xi32>], vector<16xi32>,
        %parallel_loop3A_642 = arith.constant 2 : i32
        %parallel_loop3A_643 = arith.divsi %parallel_loop3A_639, %parallel_loop3A_642 : i32
        %parallel_loop3A_644 = arith.constant 0 : i32
        %parallel_loop3A_645 = arith.cmpi sgt, %parallel_loop3A_639, %parallel_loop3A_644 : i32
        %parallel_loop3A_646 = arith.extui %parallel_loop3A_645 : i1 to i32
        %parallel_loop3A_647 = arith.constant 0 : i32
        %parallel_loop3A_648 = arith.cmpi slt, %parallel_loop3A_639, %parallel_loop3A_647 : i32
        %parallel_loop3A_649 = arith.extui %parallel_loop3A_648 : i1 to i32
        %parallel_loop3A_650 = arith.subi %parallel_loop3A_646, %parallel_loop3A_649 : i32
        %parallel_loop3A_651 = arith.constant 0 : i32
        %parallel_loop3A_652 = arith.cmpi sgt, %parallel_loop3A_642, %parallel_loop3A_651 : i32
        %parallel_loop3A_653 = arith.extui %parallel_loop3A_652 : i1 to i32
        %parallel_loop3A_654 = arith.constant 0 : i32
        %parallel_loop3A_655 = arith.cmpi slt, %parallel_loop3A_642, %parallel_loop3A_654 : i32
        %parallel_loop3A_656 = arith.extui %parallel_loop3A_655 : i1 to i32
        %parallel_loop3A_657 = arith.subi %parallel_loop3A_653, %parallel_loop3A_656 : i32
        %parallel_loop3A_658 = arith.cmpi ne, %parallel_loop3A_650, %parallel_loop3A_657 : i32
        %parallel_loop3A_659 = arith.remsi %parallel_loop3A_639, %parallel_loop3A_642 : i32
        %parallel_loop3A_660 = arith.constant 0 : i32
        %parallel_loop3A_661 = arith.cmpi ne, %parallel_loop3A_659, %parallel_loop3A_660 : i32
        %parallel_loop3A_662 = arith.andi %parallel_loop3A_658, %parallel_loop3A_661 : i1
        %parallel_loop3A_663 = arith.constant 1 : i32
        %parallel_loop3A_664 = arith.subi %parallel_loop3A_643, %parallel_loop3A_663 : i32
        %parallel_loop3A_665 = arith.select %parallel_loop3A_662, %parallel_loop3A_664, %parallel_loop3A_643 : i32
        %parallel_loop3A_666 = arith.constant 2 : i32
        %parallel_loop3A_667 = arith.muli %parallel_loop3A_665, %parallel_loop3A_666 : i32
        %parallel_loop3A_668 = arith.subi %parallel_loop3A_639, %parallel_loop3A_667 : i32
        %parallel_loop3A_669 = arith.constant 500 : i32
        %parallel_loop3A_670 = arith.muli %parallel_loop3A_668, %parallel_loop3A_669 : i32
        %parallel_loop3A_671 = vector.broadcast %parallel_loop3A_665 : i32 to vector<16xi32>
        %parallel_loop3A_672 = vector.broadcast %parallel_loop3A_670 : i32 to vector<16xi32>
        %parallel_loop3A_673 = arith.constant 0 : i32
        %parallel_loop3A_674 = arith.constant 32 : i32
        %parallel_loop3A_675 = arith.constant 1 : i32
        scf.for %parallel_loop3A_676 = %parallel_loop3A_673 to %parallel_loop3A_674 step %parallel_loop3A_675  : i32 {
          %parallel_loop3A_677 = arith.constant 16 : i32
          %parallel_loop3A_678 = arith.muli %parallel_loop3A_676, %parallel_loop3A_677 : i32
          %parallel_loop3A_679 = arith.index_cast %parallel_loop3A_678 : i32 to index
          %parallel_loop3A_680 = tpu.vector_load %arg9[%parallel_loop3A_679] {strides = array<i32>} : memref<512xi32, #tpu.memory_space<vmem>>, vector<16xi32>,
          %parallel_loop3A_681 = tpu.vector_load_idx %arg10[%parallel_loop3A_641, %parallel_loop3A_680] : memref<64x500xf32, #tpu.memory_space<vmem>>[vector<16xi32>, vector<16xi32>], vector<16xf32>,
          %parallel_loop3A_682 = arith.addi %parallel_loop3A_672, %parallel_loop3A_680 : vector<16xi32>
          tpu.vector_store_idx %arg11[%parallel_loop3A_671, %parallel_loop3A_682], %parallel_loop3A_681 : memref<32x1000xf32, #tpu.memory_space<vmem>>[vector<16xi32>, vector<16xi32>], vector<16xf32>,
        } {sc.loop_unroll_factor = 8 : i64, sc.parallel_access}
      } {sc.loop_unroll_factor = 4 : i64, sc.parallel_access}
      %mul3A_588 = arith.constant 32 : i32
      %mul3A_589 = arith.muli %add3A, %mul3A_588 : i32
      %add3A_590 = arith.constant 0 : i32
      %add3A_591 = arith.addi %mul3A_589, %add3A_590 : i32
      %dma_start3A = arith.constant 0 : i32
      %dma_start3A_592 = arith.constant 0 : i32
      %dma_start3A_593 = tpu.memref_slice %arg11[%dma_start3A, %dma_start3A_592] : memref<32x1000xf32, #tpu.memory_space<vmem>> -> memref<16x1000xf32, #tpu.memory_space<vmem>>
      %dma_start3A_594 = arith.constant 0 : i32
      %dma_start3A_595 = tpu.memref_slice %arg5[%add3A_591, %dma_start3A_594] : memref<960x1000xf32, #tpu.memory_space<hbm>> -> memref<16x1000xf32, #tpu.memory_space<hbm>>
      %dma_start3A_596 = arith.constant 0 : i32
      %dma_start3A_597 = tpu.memref_slice %arg5[%add3A_591, %dma_start3A_596] : memref<960x1000xf32, #tpu.memory_space<hbm>> -> memref<16x1000xf32, #tpu.memory_space<hbm>>
      %dma_start3A_598 = arith.constant 0 : i32
      %dma_start3A_599 = arith.constant 0 : i32
      %dma_start3A_600 = tpu.memref_slice %arg11[%dma_start3A_598, %dma_start3A_599] : memref<32x1000xf32, #tpu.memory_space<vmem>> -> memref<16x1000xf32, #tpu.memory_space<vmem>>
      tpu.enqueue_dma source(%dma_start3A_600 : memref<16x1000xf32, #tpu.memory_space<vmem>>) target(%dma_start3A_597 : memref<16x1000xf32, #tpu.memory_space<hbm>>) target_semaphore(%arg13 : memref<!tpu.dma_semaphore, #tpu.memory_space<semaphore_mem>>)
      %parallel_loop3A_601 = arith.constant 0 : i32
      %parallel_loop3A_602 = arith.constant 32 : i32
      %parallel_loop3A_603 = arith.constant 1 : i32
      scf.for %parallel_loop3A_637 = %parallel_loop3A_601 to %parallel_loop3A_602 step %parallel_loop3A_603  : i32 {
        %parallel_loop3A_638 = arith.constant 32 : i32
        %parallel_loop3A_639 = arith.addi %parallel_loop3A_638, %parallel_loop3A_637 : i32
        %parallel_loop3A_640 = vector.broadcast %parallel_loop3A_639 : i32 to vector<16xi32>
        %parallel_loop3A_641 = tpu.vector_load_idx %arg8[%parallel_loop3A_640] : memref<64xi32, #tpu.memory_space<vmem>>[vector<16xi32>], vector<16xi32>,
        %parallel_loop3A_642 = arith.constant 2 : i32
        %parallel_loop3A_643 = arith.divsi %parallel_loop3A_639, %parallel_loop3A_642 : i32
        %parallel_loop3A_644 = arith.constant 0 : i32
        %parallel_loop3A_645 = arith.cmpi sgt, %parallel_loop3A_639, %parallel_loop3A_644 : i32
        %parallel_loop3A_646 = arith.extui %parallel_loop3A_645 : i1 to i32
        %parallel_loop3A_647 = arith.constant 0 : i32
        %parallel_loop3A_648 = arith.cmpi slt, %parallel_loop3A_639, %parallel_loop3A_647 : i32
        %parallel_loop3A_649 = arith.extui %parallel_loop3A_648 : i1 to i32
        %parallel_loop3A_650 = arith.subi %parallel_loop3A_646, %parallel_loop3A_649 : i32
        %parallel_loop3A_651 = arith.constant 0 : i32
        %parallel_loop3A_652 = arith.cmpi sgt, %parallel_loop3A_642, %parallel_loop3A_651 : i32
        %parallel_loop3A_653 = arith.extui %parallel_loop3A_652 : i1 to i32
        %parallel_loop3A_654 = arith.constant 0 : i32
        %parallel_loop3A_655 = arith.cmpi slt, %parallel_loop3A_642, %parallel_loop3A_654 : i32
        %parallel_loop3A_656 = arith.extui %parallel_loop3A_655 : i1 to i32
        %parallel_loop3A_657 = arith.subi %parallel_loop3A_653, %parallel_loop3A_656 : i32
        %parallel_loop3A_658 = arith.cmpi ne, %parallel_loop3A_650, %parallel_loop3A_657 : i32
        %parallel_loop3A_659 = arith.remsi %parallel_loop3A_639, %parallel_loop3A_642 : i32
        %parallel_loop3A_660 = arith.constant 0 : i32
        %parallel_loop3A_661 = arith.cmpi ne, %parallel_loop3A_659, %parallel_loop3A_660 : i32
        %parallel_loop3A_662 = arith.andi %parallel_loop3A_658, %parallel_loop3A_661 : i1
        %parallel_loop3A_663 = arith.constant 1 : i32
        %parallel_loop3A_664 = arith.subi %parallel_loop3A_643, %parallel_loop3A_663 : i32
        %parallel_loop3A_665 = arith.select %parallel_loop3A_662, %parallel_loop3A_664, %parallel_loop3A_643 : i32
        %parallel_loop3A_666 = arith.constant 2 : i32
        %parallel_loop3A_667 = arith.muli %parallel_loop3A_665, %parallel_loop3A_666 : i32
        %parallel_loop3A_668 = arith.subi %parallel_loop3A_639, %parallel_loop3A_667 : i32
        %parallel_loop3A_669 = arith.constant 500 : i32
        %parallel_loop3A_670 = arith.muli %parallel_loop3A_668, %parallel_loop3A_669 : i32
        %parallel_loop3A_671 = vector.broadcast %parallel_loop3A_665 : i32 to vector<16xi32>
        %parallel_loop3A_672 = vector.broadcast %parallel_loop3A_670 : i32 to vector<16xi32>
        %parallel_loop3A_673 = arith.constant 0 : i32
        %parallel_loop3A_674 = arith.constant 32 : i32
        %parallel_loop3A_675 = arith.constant 1 : i32
        scf.for %parallel_loop3A_676 = %parallel_loop3A_673 to %parallel_loop3A_674 step %parallel_loop3A_675  : i32 {
          %parallel_loop3A_677 = arith.constant 16 : i32
          %parallel_loop3A_678 = arith.muli %parallel_loop3A_676, %parallel_loop3A_677 : i32
          %parallel_loop3A_679 = arith.index_cast %parallel_loop3A_678 : i32 to index
          %parallel_loop3A_680 = tpu.vector_load %arg9[%parallel_loop3A_679] {strides = array<i32>} : memref<512xi32, #tpu.memory_space<vmem>>, vector<16xi32>,
          %parallel_loop3A_681 = tpu.vector_load_idx %arg10[%parallel_loop3A_641, %parallel_loop3A_680] : memref<64x500xf32, #tpu.memory_space<vmem>>[vector<16xi32>, vector<16xi32>], vector<16xf32>,
          %parallel_loop3A_682 = arith.addi %parallel_loop3A_672, %parallel_loop3A_680 : vector<16xi32>
          tpu.vector_store_idx %arg11[%parallel_loop3A_671, %parallel_loop3A_682], %parallel_loop3A_681 : memref<32x1000xf32, #tpu.memory_space<vmem>>[vector<16xi32>, vector<16xi32>], vector<16xf32>,
        } {sc.loop_unroll_factor = 8 : i64, sc.parallel_access}
      } {sc.loop_unroll_factor = 4 : i64, sc.parallel_access}
      %mul3A_604 = arith.constant 32 : i32
      %mul3A_605 = arith.muli %add3A, %mul3A_604 : i32
      %add3A_606 = arith.constant 16 : i32
      %add3A_607 = arith.addi %mul3A_605, %add3A_606 : i32
      %dma_start3A_608 = arith.constant 16 : i32
      %dma_start3A_609 = arith.constant 0 : i32
      %dma_start3A_610 = tpu.memref_slice %arg11[%dma_start3A_608, %dma_start3A_609] : memref<32x1000xf32, #tpu.memory_space<vmem>> -> memref<16x1000xf32, #tpu.memory_space<vmem>>
      %dma_start3A_611 = arith.constant 0 : i32
      %dma_start3A_612 = tpu.memref_slice %arg5[%add3A_607, %dma_start3A_611] : memref<960x1000xf32, #tpu.memory_space<hbm>> -> memref<16x1000xf32, #tpu.memory_space<hbm>>
      %dma_start3A_613 = arith.constant 0 : i32
      %dma_start3A_614 = tpu.memref_slice %arg5[%add3A_607, %dma_start3A_613] : memref<960x1000xf32, #tpu.memory_space<hbm>> -> memref<16x1000xf32, #tpu.memory_space<hbm>>
      %dma_start3A_615 = arith.constant 16 : i32
      %dma_start3A_616 = arith.constant 0 : i32
      %dma_start3A_617 = tpu.memref_slice %arg11[%dma_start3A_615, %dma_start3A_616] : memref<32x1000xf32, #tpu.memory_space<vmem>> -> memref<16x1000xf32, #tpu.memory_space<vmem>>
      tpu.enqueue_dma source(%dma_start3A_617 : memref<16x1000xf32, #tpu.memory_space<vmem>>) target(%dma_start3A_614 : memref<16x1000xf32, #tpu.memory_space<hbm>>) target_semaphore(%arg13 : memref<!tpu.dma_semaphore, #tpu.memory_space<semaphore_mem>>)
      %dma_wait3A = arith.constant 16 : i32
      %dma_wait3A_618 = arith.constant 0 : i32
      %dma_wait3A_619 = tpu.memref_slice %arg11[%dma_wait3A, %dma_wait3A_618] : memref<32x1000xf32, #tpu.memory_space<vmem>> -> memref<16x1000xf32, #tpu.memory_space<vmem>>
      %dma_wait3A_620 = arith.constant 0 : i32
      %dma_wait3A_621 = tpu.memref_slice %arg5[%add3A_607, %dma_wait3A_620] : memref<960x1000xf32, #tpu.memory_space<hbm>> -> memref<16x1000xf32, #tpu.memory_space<hbm>>
      %dma_wait3A_622 = arith.constant 0 : i32
      %dma_wait3A_623 = tpu.memref_slice %arg5[%add3A_607, %dma_wait3A_622] : memref<960x1000xf32, #tpu.memory_space<hbm>> -> memref<16x1000xf32, #tpu.memory_space<hbm>>
      %dma_wait3A_624 = arith.constant 16 : i32
      %dma_wait3A_625 = arith.constant 0 : i32
      %dma_wait3A_626 = tpu.memref_slice %arg11[%dma_wait3A_624, %dma_wait3A_625] : memref<32x1000xf32, #tpu.memory_space<vmem>> -> memref<16x1000xf32, #tpu.memory_space<vmem>>
      tpu.wait_dma2 semaphore(%arg13 : memref<!tpu.dma_semaphore, #tpu.memory_space<semaphore_mem>>) src(%dma_wait3A_626 : memref<16x1000xf32, #tpu.memory_space<vmem>>) dst(%dma_wait3A_623 : memref<16x1000xf32, #tpu.memory_space<hbm>>)
      %dma_wait3A_627 = arith.constant 0 : i32
      %dma_wait3A_628 = arith.constant 0 : i32
      %dma_wait3A_629 = tpu.memref_slice %arg11[%dma_wait3A_627, %dma_wait3A_628] : memref<32x1000xf32, #tpu.memory_space<vmem>> -> memref<16x1000xf32, #tpu.memory_space<vmem>>
      %dma_wait3A_630 = arith.constant 0 : i32
      %dma_wait3A_631 = tpu.memref_slice %arg5[%add3A_591, %dma_wait3A_630] : memref<960x1000xf32, #tpu.memory_space<hbm>> -> memref<16x1000xf32, #tpu.memory_space<hbm>>
      %dma_wait3A_632 = arith.constant 0 : i32
      %dma_wait3A_633 = tpu.memref_slice %arg5[%add3A_591, %dma_wait3A_632] : memref<960x1000xf32, #tpu.memory_space<hbm>> -> memref<16x1000xf32, #tpu.memory_space<hbm>>
      %dma_wait3A_634 = arith.constant 0 : i32
      %dma_wait3A_635 = arith.constant 0 : i32
      %dma_wait3A_636 = tpu.memref_slice %arg11[%dma_wait3A_634, %dma_wait3A_635] : memref<32x1000xf32, #tpu.memory_space<vmem>> -> memref<16x1000xf32, #tpu.memory_space<vmem>>
      tpu.wait_dma2 semaphore(%arg13 : memref<!tpu.dma_semaphore, #tpu.memory_space<semaphore_mem>>) src(%dma_wait3A_636 : memref<16x1000xf32, #tpu.memory_space<vmem>>) dst(%dma_wait3A_633 : memref<16x1000xf32, #tpu.memory_space<hbm>>)
    } else {
    }
    return
  }
}

</mosaic_0001>

<sc_bundles>
// kernel: kernel.3.cloned.1.call-start
scs
__scs_entry_jumppad:
0x0: {  	(pc) =	sbr.rel $0x88, $3  }
0x1: {  	(tag) =	ssettag $0x0;
	lr =	simm.s32 $0x1  }
0x2: {  	[smem:$0x3F9F] =	sst lr;
	_ =	strace $0xD0000000  }
0x3: {  	_ = 	snop  }
0x4: {  	_ = 	snop  }
0x5: {  	_ = 	snop  }
0x6: {  	_ = 	snop  }
0x7: {  	_ = 	snop  }
__scs_overlays_trampoline_lowered:
0x8: {  	[smem:$0x3FAE] =	sst s0  }
0x9: {  	[smem:$0x3FAF] =	sst s1  }
0xa: {  	[smem:$0x3FB0] =	sst s2  }
0xb: {  	[smem:$0x3FB1] =	sst s3  }
0xc: {  	[smem:$0x3FB2] =	sst s4  }
0xd: {  	[smem:$0x3FB3] =	sst s5  }
0xe: {  	[smem:$0x3FB4] =	sst s6  }
0xf: {  	[smem:$0x3FB5] =	sst s7  }
0x10: {  	[smem:$0x3FB6] =	sst s8  }
0x11: {  	[smem:$0x3FB7] =	sst s9;
	s0 =	simm.s32 @!p0 $0x0  }
0x12: {  	s1 =	sld [smem:$0x3F9D];
	s0 =	simm.s32 @p0 $0x1  }
0x13: {  	[smem:$0x3FB8] =	sst s0;
	s0 =	simm.s32 @!p1 $0x0  }
0x14: {  	s2 =	sld [smem:$0x3F9C];
	s0 =	simm.s32 @p1 $0x1  }
0x15: {  	[smem:$0x3FB9] =	sst s0;
	s0 =	simm.s32 @!p2 $0x0  }
0x16: {  	s3 =	sld [smem:$0x3FDB];
	s0 =	simm.s32 @p2 $0x1  }
0x17: {  	s4 =	simm.s32 $0x1BF5;
	[smem:$0x3FBB] =	sst s0  }
0x18: {  	s0 =	sld [smem:$0x3F9E];
	_ =	swait.ge [sflag:s4], $0x0  }
0x19: {  	s7 =	sld [smem:$0x3F9F]  }
0x1a: {  	s8 =	sadd.s32 $0xFFFFE003, lr  }
0x1b: {  	s9 =	sadd.s32 $0xFFFFFEF7, lr;
	s5 =	simm.s32 $0xFFFFFFFF;
	p2 =	slt.u32 s8, $0xFFFFF086  }
0x1c: {  	p1 =	slt.u32 s9, $0xF7A;
	s5 =	simm.s32 @!p2 $0x0  }
0x1d: {  	s5 =	simm.s32 @p1 $0x1;
	p0 =	seq.s32 s7, s2  }
0x1e: {  	s7 =	smul.u32 @!p0 $0xF7A, s2;
	p2 =	seq.s32 @!p0 s5, $0x0  }
0x1f: {  	s9 =	smul.u32 $0xF7A, s1;
	s8 =	simm.s32 @!p0 $0x1BF5;
	p2 =	por !p2, p0  }
0x20: {  	[sflag:s8] =	ssyncset.s32 @!p0 $0xFFFFF086;
	s6 =	sadd.s32 @!p0 s3, s7;
	s7 =	simm.s32 @!p0 $0x108  }
0x21: {  	s3 =	sadd.s32 s3, s9;
	s6 =	sadd.s32 @!p0 $0x88, s6;
	s7 =	simm.s32 @p2 $0x1082  }
0x22: {  	[simem:s7], [sflag:s8] =	dma.local @!p0 [hbm:s6], $0xF7A  }
0x23: {  	s9 =	sor.u32 $0xD0000000, s2;
	s6 =	simm.s32 $0x108;
	_ =	swait.ge @!p0 [sflag:s8], $0x0  }
0x24: {  	s3 =	sadd.s32 $0x88, s3;
	s6 =	simm.s32 @!p1 $0x1082;
	[sflag:s4] =	ssyncset.s32 $0xFFFFF086  }
0x25: {  	[simem:s6], [sflag:s4] =	dma.local [hbm:s3], $0xF7A  }
0x26: {  	[smem:$0x3F9F] =	sst s1;
	(tag) =	ssettag s2;
	_ =	strace s9  }
0x27: {  	s1 =	sld [smem:$0x3FAF]  }
0x28: {  	s2 =	sld [smem:$0x3FB0]  }
0x29: {  	s4 =	sld [smem:$0x3FB2]  }
0x2a: {  	p0 =	seq.s32 s5, $0x0;
	s5 =	sld [smem:$0x3FB3]  }
0x2b: {  	s6 =	sld [smem:$0x3FB4]  }
0x2c: {  	s7 =	sld [smem:$0x3FB5]  }
0x2d: {  	s3 =	simm.s32 $0x108;
	s8 =	sld [smem:$0x3FB6]  }
0x2e: {  	s3 =	simm.s32 @!p0 $0x1082;
	s9 =	sld [smem:$0x3FB7]  }
0x2f: {  	lr =	sadd.s32 s0, s3;
	s0 =	sld [smem:$0x3FAE]  }
0x30: {  	s3 =	sld [smem:$0x3FB1]  }
0x31: {  	[smem:$0x3FBA] =	sst s10  }
0x32: {  	s10 =	sld [smem:$0x3FB8];
	_ =	sdelay $0x3  }
0x33: {  	p0 =	seq.s32 s10, $0x1;
	s10 =	sld [smem:$0x3FBA];
	_ =	sdelay $0x3  }
0x34: {  	[smem:$0x3FBA] =	sst s10  }
0x35: {  	s10 =	sld [smem:$0x3FB9];
	_ =	sdelay $0x3  }
0x36: {  	p1 =	seq.s32 s10, $0x1;
	s10 =	sld [smem:$0x3FBA];
	_ =	sdelay $0x3  }
0x37: {  	[smem:$0x3FBA] =	sst s10  }
0x38: {  	s10 =	sld [smem:$0x3FBB]  }
0x39: {  	_ = 	snop;
	(pc) =	sbr.ind lr, $3  }
0x3a: {  	_ = 	snop  }
0x3b: {  	_ = 	snop  }
0x3c: {  	p2 =	seq.s32 s10, $0x1;
	s10 =	sld [smem:$0x3FBA]  }
0x3d: {  	_ =	shalt  }
0x3e: {  	_ =	shalt  }
0x3f: {  	_ =	shalt  }
0x40: {  	_ =	shalt  }
0x41: {  	_ =	shalt  }
0x42: {  	_ =	shalt  }
0x43: {  	_ =	shalt  }
0x44: {  	_ =	shalt  }
0x45: {  	_ =	shalt  }
0x46: {  	_ =	shalt  }
0x47: {  	_ =	shalt  }
0x48: {  	_ =	shalt  }
0x49: {  	_ =	shalt  }
0x4a: {  	_ =	shalt  }
0x4b: {  	_ =	shalt  }
0x4c: {  	_ =	shalt  }
0x4d: {  	_ =	shalt  }
0x4e: {  	_ =	shalt  }
0x4f: {  	_ =	shalt  }
0x50: {  	_ =	shalt  }
0x51: {  	_ =	shalt  }
0x52: {  	_ =	shalt  }
0x53: {  	_ =	shalt  }
0x54: {  	_ =	shalt  }
0x55: {  	_ =	shalt  }
0x56: {  	_ =	shalt  }
0x57: {  	_ =	shalt  }
0x58: {  	_ =	shalt  }
0x59: {  	_ =	shalt  }
0x5a: {  	_ =	shalt  }
0x5b: {  	_ =	shalt  }
0x5c: {  	_ =	shalt  }
0x5d: {  	_ =	shalt  }
0x5e: {  	_ =	shalt  }
0x5f: {  	_ =	shalt  }
0x60: {  	_ =	shalt  }
0x61: {  	_ =	shalt  }
0x62: {  	_ =	shalt  }
0x63: {  	_ =	shalt  }
0x64: {  	_ =	shalt  }
0x65: {  	_ =	shalt  }
0x66: {  	_ =	shalt  }
0x67: {  	_ =	shalt  }
0x68: {  	_ =	shalt  }
0x69: {  	_ =	shalt  }
0x6a: {  	_ =	shalt  }
0x6b: {  	_ =	shalt  }
0x6c: {  	_ =	shalt  }
0x6d: {  	_ =	shalt  }
0x6e: {  	_ =	shalt  }
0x6f: {  	_ =	shalt  }
0x70: {  	_ =	shalt  }
0x71: {  	_ =	shalt  }
0x72: {  	_ =	shalt  }
0x73: {  	_ =	shalt  }
0x74: {  	_ =	shalt  }
0x75: {  	_ =	shalt  }
0x76: {  	_ =	shalt  }
0x77: {  	_ =	shalt  }
0x78: {  	_ =	shalt  }
0x79: {  	_ =	shalt  }
0x7a: {  	_ =	shalt  }
0x7b: {  	_ =	shalt  }
0x7c: {  	_ =	shalt  }
0x7d: {  	_ =	shalt  }
0x7e: {  	_ =	shalt  }
0x7f: {  	_ =	shalt  }
0x80: {  	_ =	shalt  }
0x81: {  	_ =	shalt  }
0x82: {  	_ =	shalt  }
0x83: {  	_ =	shalt  }
0x84: {  	_ =	shalt  }
0x85: {  	_ =	shalt  }
0x86: {  	_ =	shalt  }
0x87: {  	_ =	shalt  }
.Lfunc_end0:
.L_simem_size_0:
called_computation_lowered:
.L_overlay_start_0:
0x88: {  	s2 =	sld [smem:$0x3FD9]  }
0x89: {  	s3 =	sld [smem:$0x3FFE];
	_ =	sdelay $0x1  }
0x8a: {  	s1 =	srdreg.scid  }
0x8b: {  	s0 =	sand.u32 $0x1, s1  }
0x8c: {  	s15 =	sshll.u32 s0, $0xA;
	s2 =	sadd.s32 s3, s2  }
0x8d: {  	s2 =	sadd.s32 s2, s15  }
0x8e: {  	[smem:$0x3FC6] =	sst s2  }
0x8f: {  	_ = 	snop  }
0x90: {  	s2 =	sld [smem:$0x3FD0];
	_ =	sdelay $0x1  }
0x91: {  	s16 =	sld [smem:$0x3FC9]  }
0x92: {  	s5 =	simm.s32 $0xA;
	s6 =	simm.s32 $0x10;
	s4 =	sld [smem:$0x3FC8]  }
0x93: {  	[smem:s6], [sflag:s5] =	dma.local [hbm:s2], $0x1  }
0x94: {  	_ =	swait.eq [sflag:s5], $0x1  }
0x95: {  	[sflag:s5] =	ssyncset.done $0x0  }
0x96: {  	s17 =	sld [smem:$0x10];
	[sflag:s5] =	ssyncadd.s32 $0xFFFFFFFF  }
0x97: {  	s18 =	sld [smem:$0x11];
	(tm) =	ssettm $0x1  }
0x98: {  	s19 =	sld [smem:$0x3FFB];
	_ =	sdelay $0x3  }
0x99: {  	_ =	strace s19  }
0x9a: {  	s6 =	sld [smem:$0x3FFC];
	_ =	sdelay $0x3  }
0x9b: {  	_ =	strace s6  }
0x9c: {  	s6 =	sld [smem:$0x3FFD];
	_ =	sdelay $0x3  }
0x9d: {  	_ =	strace s6  }
0x9e: {  	_ =	strace $0x8FFFFFFF  }
0x9f: {  	s20 =	sld [smem:$0x3FDB];
	_ =	sdelay $0x1  }
0xa0: {  	s7 =	simm.s32 $_scs_section_size  }
0xa1: {  	s8 =	simm.s32 $_size__tile_overlayer_lowered;
	s9 =	simm.s32 $_tile_overlayer_lowered  }
0xa2: {  	s23 =	simm.s32 $0x1BFF;
	s22 =	sshll.u32 s9, $0x1;
	s6 =	sadd.s32 s7, s20  }
0xa3: {  	s10 =	simm.s32 $0x0;
	s21 =	sshll.u32 s8, $0x1;
	s8 =	sadd.s32 s22, s6  }
0xa4: {  	[timem:s10], [sflag:s23] =	dma.local [hbm:s8], s21  }
0xa5: {  	_ =	swait.ge [sflag:s23], s21  }
0xa6: {  	s7 =	ssub.s32 $0x0, s21;
	[sflag:s23] =	ssyncset.done $0x0  }
0xa7: {  	[sflag:s23] =	ssyncadd.s32 s7;
	_ =	sdelay $0x1  }
0xa8: {  	s24 =	simm.s32 $0x1B8B  }
0xa9: {  	_ =	swait.ge [sflag:s24], $0x1  }
0xaa: {  	[sflag:s24] =	ssyncset.done $0x0  }
0xab: {  	s25 =	simm.s32 $0x1B8E;
	[sflag:s24] =	ssyncadd.s32 $0xFFFFFFFF  }
0xac: {  	s26 =	simm.s32 $execute0_lowered;
	[smem:$0x3FD2] =	sst s25  }
0xad: {  	s7 =	sshll.u32 s26, $0x1;
	_ =	strace $0x80000046;
	[dreg:$0x1] =	wrdreg $0xFFFFFFFF  }
0xae: {  	s28 =	simm.s32 $_size_execute0_lowered;
	s6 =	sadd.s32 s6, s7;
	[dreg:$0x0] =	wrdreg $0x0  }
0xaf: {  	s7 =	sshll.u32 s28, $0x1;
	[dreg:$0x2] =	wrdreg s6  }
0xb0: {  	[dreg:$0x3] =	wrdreg s7  }
0xb1: {  	[dreg:$0x4] =	wrdreg $0xC0  }
0xb2: {  	_ =	task [dreg:s10], $0x5FFFF  }
0xb3: {  	[dreg:$0x1] =	wrdreg $0xFFFFFFFF  }
0xb4: {  	[dreg:$0x0] =	wrdreg $0x60  }
0xb5: {  	[dreg:$0x2] =	wrdreg s16  }
0xb6: {  	[dreg:$0x3] =	wrdreg s4  }
0xb7: {  	[dreg:$0x4] =	wrdreg s17  }
0xb8: {  	[dreg:$0x5] =	wrdreg s18  }
0xb9: {  	[dreg:$0x6] =	wrdreg $0x9  }
0xba: {  	_ =	task.clear_ibuf [dreg:s10], $0x7FFFF;
	_ =	strace $0x90000046  }
0xbb: {  	s29 =	simm.s32 $0x9;
	_ =	strace $0x80000048  }
0xbc: {  	_ =	swait.ge [sflag:s29], $0x1  }
0xbd: {  	[sflag:s29] =	ssyncadd.s32 $0xFFFFFFFF  }
0xbe: {  	_ =	strace $0x90000048  }
0xbf: {  	_ =	sfence  }
0xc0: {  	s30 =	sld [smem:$0x0];
	_ =	sdelay $0x2  }
0xc1: {  	s31 =	sshll.u32 s1, $0xD;
	s1 =	sshrl.u32 s1, $0x2  }
0xc2: {  	s3 =	sand.u32 $0x4000, s31;
	s1 =	sadd.s32 s1, s30  }
0xc3: {  	s0 =	sor.u32 s3, s0;
	s1 =	sshll.u32 s1, $0x11  }
0xc4: {  	s0 =	sor.u32 s1, s0  }
0xc5: {  	s0 =	sadd.s32 $0x8F2B, s0  }
0xc6: {  	[sflag:s0] =	ssyncadd.remote.s32 $0x1  }
0xc7: {  	_ =	sfence.sel $0xFFFF  }
0xc8: {  	[dreg:$0x0] =	wrdreg $0xFFFFFFFF;
	(pc) =	sbr.abs _section_cstart, $3  }
0xc9: {  	[dreg:$0x1] =	wrdreg $0xFFFFFFFF  }
0xca: {  	_ =	task.clear_ibuf [dreg:s10], $0x2FFFF;
	_ =	strace $0x9FFFFFFF  }
0xcb: {  	(tm) =	ssettm $0x7FFFFFFF  }
tec
execute0_lowered:
.L_overlay_start_1:
0x0: {  	(tag) =	ssettag $0x1  }
0x1: {  	s3 =	stileid.u32  }
0x2: {  	s1 =	rddreg [dreg:$0x0];
	p0 =	seq.s32 s3, $0xF  }
.Ltmp0:
0x3: {  	s2 =	rddreg [dreg:$0x1];
	(pc) =	sbr.rel @p0 .LBB2_23-.Ltmp0, $4  }
0x4: {  	s4 =	rddreg [dreg:$0x2]  }
0x5: {  	s6 =	rddreg [dreg:$0x3];
	s5 =	simm.s32 $0x0  }
0x6: {  	[smem:$0x7FF] =	sst s5  }
0x7: {  	s0 =	rddreg [dreg:$0x4];
	_ =	strace $0x80000047  }
0x8: {  	s7 =	srdreg.scid  }
0x9: {  	s29 =	sshll.u32 s3, $0x1;
	s8 =	sand.u32 $0x1, s7  }
0xa: {  	s7 =	sor.u32 s8, s29  }
0xb: {  	s9 =	sshll.u32 s7, $0x6  }
0xc: {  	v0 =	vmov s9  }
0xd: {  	v1 =	vbroadcast v0, $0x0  }
0xe: {  	v0 =	vlaneseq.u32  }
0xf: {  	v3 =	vor.u32 v0, v1  }
0x10: {  	v2 =	vmulhi.u32 $0x88888889, v3;
	_ =	sdelay $0x1  }
0x11: {  	v2 =	vshrl.u32 v2, $0x4  }
0x12: {  	v4 =	vmul.u32 $0xFFFFFFE2, v2  }
0x13: {  	v5 =	vsub.s32 $0x0, v3  }
0x14: {  	vm0 =	veq.s32 v1, v0;
	vm1 =	vne.s32 v4, v5  }
0x15: {  	v1 =	vimm.s32 $0x0;
	vm0 =	vmand vm0, vm1  }
0x16: {  	vm2 =	vcmask $0x704;
	vm1 =	vcmask $0xF0C;
	v4 =	vsel vm0, $0xFFFFFFFF, v1  }
0x17: {  	vm0 =	vmor vm2, vm1;
	vm1 =	vcmask $0x1714;
	v2 =	vadd.s32 v4, v2  }
0x18: {  	s10 =	sor.u32 $0x10, s9;
	vm0 =	vmor vm0, vm1;
	vm1 =	vcmask $0x1F1C;
	v4 =	vmul.u32 $0xFFFFFFE2, v2  }
0x19: {  	v6 =	vor.u32 s10, v0;
	vm0 =	vmor vm0, vm1;
	vm1 =	vcmask $0x2724  }
0x1a: {  	vm0 =	vmor vm0, vm1;
	vm1 =	vcmask $0x2F2C;
	v5 =	vadd.s32 v3, v4  }
0x1b: {  	vm0 =	vmor vm0, vm1;
	vm1 =	vcmask $0x3734;
	v4 =	vmulhi.u32 $0x88888889, v6  }
0x1c: {  	v3 =	vshrl.u32 v5, $0x1F;
	vm0 =	vmor vm0, vm1;
	vm1 =	vcmask $0x3F3C  }
0x1d: {  	vm2 =	vlt.s32 v5, $0x1;
	vm0 =	vmor vm0, vm1;
	v4 =	vshrl.u32 v4, $0x4  }
0x1e: {  	v3 =	vadd.s32 v3, v5;
	vm1 =	vmand vm2, vm0;
	v8 =	vmul.u32 $0xFFFFFFE2, v4  }
0x1f: {  	v3 =	vshra.s32 v3, $0x1;
	v7 =	vsel vm1, $0xFFFFFFFF, v1  }
0x20: {  	s30 =	sor.u32 $0x20, s9;
	v3 =	vadd.s32 v7, v3;
	v8 =	vadd.s32 v6, v8  }
0x21: {  	v10 =	vor.u32 s30, v0;
	v7 =	vshll.u32 v3, $0x1;
	v6 =	vshrl.u32 v8, $0x1F  }
0x22: {  	vm2 =	vlt.s32 v8, $0x1;
	v12 =	vsub.s32 v5, v7;
	v5 =	vadd.s32 $0xFFFFFFF8, v3  }
0x23: {  	v6 =	vadd.s32 v6, v8;
	vm2 =	vmand vm2, vm0;
	v7 =	vmulhi.u32 $0x88888889, v10  }
0x24: {  	vm1 =	vgt.s32 v5, $0x0;
	v6 =	vshra.s32 v6, $0x1;
	v13 =	vsel vm2, $0xFFFFFFFF, v1  }
0x25: {  	s9 =	sor.u32 $0x30, s9;
	v9 =	vmul.u32 $0x7, v2;
	v11 =	vnsel vm1, $0x0, v5;
	v6 =	vadd.s32 v13, v6  }
0x26: {  	v7 =	vshrl.u32 v7, $0x4;
	v13 =	vor.u32 s9, v0;
	v14 =	vshll.u32 v6, $0x1  }
0x27: {  	v15 =	vmul.u32 $0xFFFFFFE2, v7;
	v16 =	vmulhi.u32 $0x88888889, v13;
	v9 =	vadd.s32 v9, v11  }
0x28: {  	v61 =	vmul.u32 $0x7, v7;
	[tilespmem:$0x1FE70] =	vst v9;
	v8 =	vsub.s32 v8, v14;
	v9 =	vadd.s32 $0xFFFFFFF8, v6  }
0x29: {  	v14 =	vmul.u32 $0x7, v4;
	v15 =	vadd.s32 v10, v15;
	v10 =	vshrl.u32 v16, $0x4  }
0x2a: {  	vm1 =	vgt.s32 v9, $0x0;
	vm4 =	veq.s32 v8, $0x1;
	v8 =	vor.u32 $0x10, v0  }
0x2b: {  	v11 =	vshrl.u32 v15, $0x1F;
	v16 =	vmul.u32 $0xFFFFFFE2, v10;
	v17 =	vnsel vm1, $0x0, v9  }
0x2c: {  	vm1 =	vlt.s32 v15, $0x1;
	[tilespmem:$0x1FEB0] =	vst v8;
	v8 =	vor.u32 $0x20, v0;
	v11 =	vadd.s32 v11, v15  }
0x2d: {  	vm1 =	vmand vm1, vm0;
	v14 =	vadd.s32 v14, v17;
	[tilespmem:$0x1FEC0] =	vst v8;
	v8 =	vor.u32 $0x30, v0  }
0x2e: {  	v11 =	vshra.s32 v11, $0x1;
	v16 =	vadd.s32 v13, v16;
	v13 =	vsel vm1, $0xFFFFFFFF, v1;
	[tilespmem:$0x1FE80] =	vst v14  }
0x2f: {  	[tilespmem:$0x1FED0] =	vst v8;
	v8 =	vor.u32 $0x40, v0;
	v18 =	vshrl.u32 v16, $0x1F;
	vm1 =	vlt.s32 v16, $0x1  }
0x30: {  	v11 =	vadd.s32 v13, v11;
	[tilespmem:$0x1FEE0] =	vst v8;
	v8 =	vor.u32 $0x50, v0;
	v13 =	vadd.s32 v18, v16  }
0x31: {  	vm0 =	vmand vm1, vm0;
	v14 =	vadd.s32 $0xFFFFFFF8, v11;
	[tilespmem:$0x1FEF0] =	vst v8;
	v8 =	vor.u32 $0x60, v0  }
0x32: {  	v19 =	vsel vm0, $0xFFFFFFFF, v1;
	vm0 =	vgt.s32 v14, $0x0;
	[tilespmem:$0x1FF00] =	vst v8;
	v8 =	vor.u32 $0x70, v0  }
0x33: {  	v13 =	vshra.s32 v13, $0x1;
	v20 =	vnsel vm0, $0x0, v14;
	[tilespmem:$0x1FF10] =	vst v8;
	v8 =	vor.u32 $0x80, v0  }
0x34: {  	v60 =	vshll.u32 v11, $0x1;
	v13 =	vadd.s32 v19, v13;
	v18 =	vadd.s32 v61, v20;
	[tilespmem:$0x1FF20] =	vst v8  }
0x35: {  	v17 =	vsub.s32 v15, v60;
	v15 =	vadd.s32 $0xFFFFFFF8, v13;
	v8 =	vor.u32 $0x90, v0;
	[tilespmem:$0x1FE90] =	vst v18  }
0x36: {  	v62 =	vmul.u32 $0x7, v10;
	vm1 =	vgt.s32 v15, $0x0;
	[tilespmem:$0x1FF30] =	vst v8;
	v8 =	vor.u32 $0xA0, v0  }
0x37: {  	v22 =	vnsel vm1, $0x0, v15;
	[tilespmem:$0x1FF40] =	vst v8;
	v8 =	vor.u32 $0xB0, v0  }
0x38: {  	v63 =	vadd.s32 v62, v22;
	[tilespmem:$0x1FF50] =	vst v8  }
0x39: {  	v8 =	vor.u32 $0xC0, v0;
	[tilespmem:$0x1FEA0] =	vst v63  }
0x3a: {  	[tilespmem:$0x1FF60] =	vst v8;
	v8 =	vor.u32 $0xD0, v0  }
0x3b: {  	v39 =	vor.u32 $0x160, v0;
	v40 =	vor.u32 $0x170, v0;
	[tilespmem:$0x1FF70] =	vst v8;
	v8 =	vor.u32 $0xE0, v0  }
0x3c: {  	v41 =	vor.u32 $0x180, v0;
	v42 =	vor.u32 $0x190, v0;
	[tilespmem:$0x1FF80] =	vst v8;
	v8 =	vor.u32 $0xF0, v0  }
0x3d: {  	v43 =	vor.u32 $0x1A0, v0;
	v44 =	vor.u32 $0x1B0, v0;
	[tilespmem:$0x1FF90] =	vst v8;
	v8 =	vor.u32 $0x100, v0  }
0x3e: {  	s11 =	simm.s32 $0x80;
	v45 =	vor.u32 $0x1C0, v0;
	v46 =	vor.u32 $0x1D0, v0;
	[tilespmem:$0x1FFA0] =	vst v8;
	v8 =	vor.u32 $0x110, v0  }
0x3f: {  	s12 =	simm.s32 $0x1;
	s13 =	simm.s32 $0x280;
	s14 =	simm.s32 $0x8500;
	v47 =	vor.u32 $0x1E0, v0;
	v48 =	vadd.s32 $0x1E4, v0;
	[tilespmem:$0x1FFB0] =	vst v8;
	v8 =	vor.u32 $0x120, v0  }
0x40: {  	s15 =	simm.s32 $0xC500;
	s8 =	ssub.s32 $0x2, s8;
	s7 =	sshll.u32 s7, $0xC;
	vm7 =	vlt.s32 v3, $0x8;
	vm6 =	veq.s32 v12, $0x1;
	[tilespmem:$0x1FFC0] =	vst v8;
	v8 =	vor.u32 $0x130, v0  }
0x41: {  	s16 =	simm.s32 $0x2;
	s31 =	sshrl.u32 s8, $0x1;
	s6 =	sadd.s32 s6, s7;
	vm5 =	vlt.s32 v6, $0x8;
	v21 =	vshll.u32 v13, $0x1;
	[tilespmem:$0x1FFD0] =	vst v8;
	v8 =	vor.u32 $0x140, v0  }
0x42: {  	s17 =	simm.s32 $0x0;
	s8 =	ssub.s32 s8, s31;
	s7 =	sadd.s32 $0x800, s6;
	vm3 =	vlt.s32 v11, $0x8;
	v16 =	vsub.s32 v16, v21;
	[tilespmem:$0x1FFE0] =	vst v8;
	v8 =	vor.u32 $0x150, v0  }
0x43: {  	s8 =	smax.u32 s8, $0x1;
	s10 =	simm.s32 $0x3;
	s9 =	simm.s32 $0x500;
	vm2 =	veq.s32 v17, $0x1;
	vm0 =	veq.s32 v16, $0x1;
	vm1 =	vlt.s32 v13, $0x8;
	[tilespmem:$0x1FFF0] =	vst v8  }
.LBB2_2:
0x44: {  	s18 =	simm.s32 $0x0  }
0x45: {  	[tilespmem:s9], [sflag:$0x1] =	stream.linear.gather [hbm4b:s1+s18], $0x8000, $0x38;
	[tilespmem:$0x10500] =	vst v63  }
0x46: {  	_ = 	snop  }
0x47: {  	[tilespmem:s18], [sflag:$0x3] =	stream.linear.gather [hbm4b:s2+s18], $0x80, $0x38;
	[tilespmem:$0x10500] =	vst v63  }
0x48: {  	_ =	swait.ge [sflag:s10], $0x80  }
0x49: {  	[sflag:s10] =	ssyncset.done $0x0  }
0x4a: {  	[sflag:s10] =	ssyncadd.s32 $0xFFFFFF80  }
0x4b: {  	[tilespmem:s11], [sflag:$0x3] =	stream.linear.gather [hbm4b:s4+s18], $0x200, $0x38;
	[tilespmem:$0x10500] =	vst v63  }
0x4c: {  	_ =	swait.ge [sflag:s10], $0x200  }
0x4d: {  	v0 =	vld [tilespmem:$0x1FE70];
	_ =	sdelay $0x1  }
0x4e: {  	[sflag:s10] =	ssyncset.done $0x0  }
0x4f: {  	[sflag:s10] =	ssyncadd.s32 $0xFFFFFE00  }
0x50: {  	v8 =	vld.idx.msk [tilespmem:v2+s18+$0x0], $0xffff;
	_ =	sdelay $0x3  }
0x51: {  	v12 =	vld.idx.msk [tilespmem:v0+s11+$0x0], $0xffff  }
0x52: {  	vm8 =	vge.s32 v5, v8  }
0x53: {  	v16 =	vsel vm8, $0x1, v1  }
0x54: {  	v16 =	vadd.s32 v16, v5  }
0x55: {  	v8 =	vshll.u32 v8, $0x3;
	v16 =	vshll.u32 v16, $0x3  }
0x56: {  	v8 =	vadd.s32 v3, v8;
	v0 =	vld [tilespmem:$0x1FE80];
	v12 =	vadd.s32 v12, v16  }
0x57: {  	v8 =	vsel vm7, v8, v12  }
0x58: {  	v8 =	vsel vm6, v8, v2  }
0x59: {  	[tilespmem:$0x280] =	vst v8  }
0x5a: {  	v8 =	vld.idx.msk [tilespmem:v4+s18+$0x0], $0xffff;
	_ =	sdelay $0x3  }
0x5b: {  	v12 =	vld.idx.msk [tilespmem:v0+s11+$0x0], $0xffff  }
0x5c: {  	vm8 =	vge.s32 v9, v8  }
0x5d: {  	v16 =	vsel vm8, $0x1, v1  }
0x5e: {  	v16 =	vadd.s32 v16, v9  }
0x5f: {  	v8 =	vshll.u32 v8, $0x3;
	v16 =	vshll.u32 v16, $0x3  }
0x60: {  	v0 =	vld [tilespmem:$0x1FE90];
	v8 =	vadd.s32 v6, v8;
	v12 =	vadd.s32 v12, v16  }
0x61: {  	v8 =	vsel vm5, v8, v12  }
0x62: {  	v8 =	vsel vm4, v8, v4  }
0x63: {  	[tilespmem:$0x290] =	vst v8  }
0x64: {  	v8 =	vld.idx.msk [tilespmem:v7+s18+$0x0], $0xffff;
	_ =	sdelay $0x3  }
0x65: {  	v12 =	vld.idx.msk [tilespmem:v0+s11+$0x0], $0xffff  }
0x66: {  	vm8 =	vge.s32 v14, v8  }
0x67: {  	v0 =	vld [tilespmem:$0x1FEA0];
	v16 =	vsel vm8, $0x1, v1  }
0x68: {  	v16 =	vadd.s32 v16, v14  }
0x69: {  	v8 =	vshll.u32 v8, $0x3;
	v16 =	vshll.u32 v16, $0x3  }
0x6a: {  	v8 =	vadd.s32 v11, v8;
	v12 =	vadd.s32 v12, v16  }
0x6b: {  	v8 =	vsel vm3, v8, v12  }
0x6c: {  	v8 =	vsel vm2, v8, v7  }
0x6d: {  	[tilespmem:$0x2A0] =	vst v8  }
0x6e: {  	v8 =	vld.idx.msk [tilespmem:v10+s18+$0x0], $0xffff  }
0x6f: {  	v12 =	vld.idx.msk [tilespmem:v0+s11+$0x0], $0xffff;
	v0 =	vlaneseq.u32  }
0x70: {  	[tilespmem:$0x300] =	vst v0;
	v0 =	vld [tilespmem:$0x1FEB0];
	_ =	sdelay $0x4  }
0x71: {  	[tilespmem:$0x310] =	vst v0;
	v0 =	vld [tilespmem:$0x1FEC0];
	_ =	sdelay $0x4  }
0x72: {  	[tilespmem:$0x320] =	vst v0;
	v0 =	vld [tilespmem:$0x1FED0];
	_ =	sdelay $0x4  }
0x73: {  	[tilespmem:$0x330] =	vst v0;
	v0 =	vld [tilespmem:$0x1FEE0];
	_ =	sdelay $0x4  }
0x74: {  	[tilespmem:$0x340] =	vst v0;
	v0 =	vld [tilespmem:$0x1FEF0];
	_ =	sdelay $0x4  }
0x75: {  	[tilespmem:$0x350] =	vst v0;
	v0 =	vld [tilespmem:$0x1FF00];
	_ =	sdelay $0x4  }
0x76: {  	[tilespmem:$0x360] =	vst v0;
	v0 =	vld [tilespmem:$0x1FF10];
	_ =	sdelay $0x4  }
0x77: {  	[tilespmem:$0x370] =	vst v0;
	v0 =	vld [tilespmem:$0x1FF20];
	_ =	sdelay $0x4  }
0x78: {  	[tilespmem:$0x380] =	vst v0;
	v0 =	vld [tilespmem:$0x1FF30];
	_ =	sdelay $0x4  }
0x79: {  	[tilespmem:$0x390] =	vst v0;
	v0 =	vld [tilespmem:$0x1FF40];
	_ =	sdelay $0x4  }
0x7a: {  	[tilespmem:$0x3A0] =	vst v0;
	v0 =	vld [tilespmem:$0x1FF50];
	_ =	sdelay $0x4  }
0x7b: {  	[tilespmem:$0x3B0] =	vst v0;
	v0 =	vld [tilespmem:$0x1FF60];
	_ =	sdelay $0x4  }
0x7c: {  	[tilespmem:$0x3C0] =	vst v0;
	v0 =	vld [tilespmem:$0x1FF70];
	_ =	sdelay $0x4  }
0x7d: {  	[tilespmem:$0x3D0] =	vst v0;
	v0 =	vld [tilespmem:$0x1FF80];
	_ =	sdelay $0x4  }
0x7e: {  	[tilespmem:$0x3E0] =	vst v0;
	v0 =	vld [tilespmem:$0x1FF90];
	_ =	sdelay $0x4  }
0x7f: {  	[tilespmem:$0x3F0] =	vst v0;
	v0 =	vld [tilespmem:$0x1FFA0];
	_ =	sdelay $0x4  }
0x80: {  	[tilespmem:$0x400] =	vst v0;
	v0 =	vld [tilespmem:$0x1FFB0];
	_ =	sdelay $0x4  }
0x81: {  	[tilespmem:$0x410] =	vst v0;
	v0 =	vld [tilespmem:$0x1FFC0];
	_ =	sdelay $0x4  }
0x82: {  	[tilespmem:$0x420] =	vst v0;
	v0 =	vld [tilespmem:$0x1FFD0];
	_ =	sdelay $0x1  }
0x83: {  	[tilespmem:$0x460] =	vst v39  }
0x84: {  	[tilespmem:$0x470] =	vst v40  }
0x85: {  	[tilespmem:$0x480] =	vst v41  }
0x86: {  	[tilespmem:$0x430] =	vst v0;
	v0 =	vld [tilespmem:$0x1FFE0]  }
0x87: {  	[tilespmem:$0x490] =	vst v42  }
0x88: {  	[tilespmem:$0x4A0] =	vst v43;
	vm8 =	vge.s32 v15, v8  }
0x89: {  	[tilespmem:$0x4B0] =	vst v44;
	v16 =	vsel vm8, $0x1, v1  }
0x8a: {  	[tilespmem:$0x4C0] =	vst v45;
	v16 =	vadd.s32 v16, v15  }
0x8b: {  	v8 =	vshll.u32 v8, $0x3;
	v16 =	vshll.u32 v16, $0x3;
	[tilespmem:$0x440] =	vst v0;
	v0 =	vld [tilespmem:$0x1FFF0]  }
0x8c: {  	[tilespmem:$0x4D0] =	vst v46;
	v8 =	vadd.s32 v13, v8;
	v12 =	vadd.s32 v12, v16  }
0x8d: {  	[tilespmem:$0x4E0] =	vst v47;
	v8 =	vsel vm1, v8, v12  }
0x8e: {  	[tilespmem:$0x4F0] =	vst v48;
	v8 =	vsel vm0, v8, v10  }
0x8f: {  	[tilespmem:$0x2B0] =	vst v8  }
0x90: {  	[tilespmem:$0x450] =	vst v0  }
0x91: {  	_ =	swait.ge [sflag:s12], $0x8000  }
0x92: {  	[sflag:s12] =	ssyncset.done $0x0  }
0x93: {  	[sflag:s12] =	ssyncadd.s32 $0xFFFF8000  }
.LBB2_3:
0x94: {  	s19 =	simm.s32 $0x340  }
0x95: {  	v12 =	vld [tilespmem:s19+$0x10]  }
0x96: {  	v8 =	vmov s18;
	v16 =	vld [tilespmem:s19+$0xFFFFFFF0]  }
0x97: {  	v8 =	vand.u32 $0xFFFFFFFC, v8;
	v17 =	vld [tilespmem:s19+$0x0]  }
0x98: {  	v19 =	vld [tilespmem:s19+$0x20];
	v8 =	vbroadcast v8, $0x0  }
0x99: {  	s20 =	sshrl.u32 s18, $0x1  }
0x9a: {  	v20 =	vmov s20;
	v52 =	vld [tilespmem:s19+$0xFFFFFFE0]  }
0x9b: {  	v60 =	vld [tilespmem:s19+$0xFFFFFFC0];
	v21 =	vshll.u32 v20, $0xA;
	v20 =	vshll.u32 v20, $0x7  }
0x9c: {  	v50 =	vand.u32 $0x2000, v21;
	v49 =	vand.u32 $0x300, v20;
	v20 =	vand.u32 $0x7F, v12  }
0x9d: {  	v21 =	vand.u32 $0x7F, v16;
	v22 =	vshll.u32 v17, $0x3;
	v23 =	vand.u32 $0x7F, v19  }
0x9e: {  	v19 =	vshll.u32 v19, $0x3;
	v16 =	vshll.u32 v16, $0x3;
	v12 =	vshll.u32 v12, $0x3;
	v8 =	vld.idx.msk [tilespmem:v8+s13+$0x0], $0xffff  }
0x9f: {  	v17 =	vand.u32 $0x7F, v17;
	v58 =	vand.u32 $0x7F, v52;
	v52 =	vshll.u32 v52, $0x3  }
0xa0: {  	v63 =	vshll.u32 v60, $0x3;
	v34 =	vand.u32 $0x7F, v60;
	v22 =	vand.u32 $0xFFFFFC00, v22  }
0xa1: {  	v16 =	vand.u32 $0xFFFFFC00, v16;
	v19 =	vand.u32 $0xFFFFFC00, v19;
	v52 =	vand.u32 $0xFFFFFC00, v52  }
0xa2: {  	v12 =	vand.u32 $0xFFFFFC00, v12;
	v63 =	vand.u32 $0xFFFFFC00, v63;
	v25 =	vadd.s32 v50, v52  }
0xa3: {  	v25 =	vor.u32 v58, v25;
	v18 =	vshll.u32 v8, $0x9;
	v8 =	vshll.u32 v8, $0x7  }
0xa4: {  	v25 =	vor.u32 v49, v25;
	v53 =	vand.u32 $0xFFFFF000, v18;
	v51 =	vand.u32 $0x380, v8  }
0xa5: {  	v54 =	vadd.s32 v53, v16;
	v56 =	vadd.s32 v53, v22;
	v22 =	vadd.s32 v50, v22  }
0xa6: {  	v59 =	vadd.s32 v53, v12;
	v16 =	vadd.s32 v50, v16;
	v33 =	vadd.s32 v53, v52  }
0xa7: {  	s31 =	simm.s32 $0x3C0;
	v35 =	vadd.s32 v53, v63;
	v63 =	vadd.s32 v50, v63;
	v12 =	vadd.s32 v50, v12  }
0xa8: {  	v28 =	vld [tilespmem:s31+$0x20];
	v54 =	vor.u32 v21, v54;
	v30 =	vor.u32 v17, v56;
	v16 =	vor.u32 v21, v16  }
0xa9: {  	v18 =	vld [tilespmem:s19+$0x30];
	v59 =	vor.u32 v20, v59;
	v17 =	vor.u32 v17, v22;
	v22 =	vadd.s32 v50, v19  }
0xaa: {  	v8 =	vld [tilespmem:s19+$0xFFFFFFD0];
	v19 =	vadd.s32 v53, v19;
	v60 =	vor.u32 v34, v35;
	v12 =	vor.u32 v20, v12  }
0xab: {  	v57 =	vor.u32 v51, v54;
	v56 =	vor.u32 v51, v30;
	v61 =	vor.u32 v49, v16  }
0xac: {  	v17 =	vor.u32 v49, v17;
	v19 =	vor.u32 v23, v19;
	v60 =	vor.u32 v51, v60  }
0xad: {  	v20 =	vor.u32 v23, v22;
	v22 =	vshll.u32 v28, $0x3;
	v37 =	vor.u32 v51, v59  }
0xae: {  	v0 =	vor.u32 v49, v12;
	v19 =	vor.u32 v51, v19;
	v24 =	vshll.u32 v18, $0x3  }
0xaf: {  	v27 =	vld [tilespmem:s31+$0xFFFFFFF0];
	v55 =	vshll.u32 v8, $0x3;
	v8 =	vand.u32 $0x7F, v8;
	v18 =	vand.u32 $0x7F, v18  }
0xb0: {  	v62 =	vld [tilespmem:s31+$0x10];
	v24 =	vand.u32 $0xFFFFFC00, v24;
	v32 =	vand.u32 $0xFFFFFC00, v55;
	v55 =	vor.u32 v58, v33  }
0xb1: {  	v58 =	vld [tilespmem:s31+$0x0];
	v31 =	vadd.s32 v53, v24;
	v24 =	vadd.s32 v50, v24;
	v54 =	vadd.s32 v50, v32  }
0xb2: {  	v26 =	vor.u32 v51, v55;
	v55 =	vor.u32 v34, v63;
	v63 =	vld [tilespmem:s31+$0x30];
	v21 =	vor.u32 v18, v31  }
0xb3: {  	v54 =	vor.u32 v8, v54;
	v57 =	vld.idx.msk [tilespmem:v57+s9+$0x0], $0xffff;
	v29 =	vor.u32 v49, v55;
	v18 =	vor.u32 v18, v24  }
0xb4: {  	v24 =	vand.u32 $0x7F, v27;
	v27 =	vshll.u32 v27, $0x3;
	v60 =	vld.idx.msk [tilespmem:v60+s9+$0x0], $0xffff;
	v16 =	vor.u32 v51, v21  }
0xb5: {  	v21 =	vadd.s32 v53, v32;
	v52 =	vor.u32 v49, v54;
	v30 =	vor.u32 v49, v18;
	v18 =	vld [tilespmem:s31+$0xFFFFFFD0]  }
0xb6: {  	v54 =	vand.u32 $0x7F, v62;
	v27 =	vand.u32 $0xFFFFFC00, v27;
	v32 =	vor.u32 v49, v20;
	v19 =	vld.idx.msk [tilespmem:v19+s9+$0x0], $0xffff  }
0xb7: {  	v62 =	vshll.u32 v62, $0x3;
	v8 =	vor.u32 v8, v21;
	v21 =	vld.idx.msk [tilespmem:v56+s9+$0x0], $0xffff;
	v20 =	vadd.s32 v53, v27  }
0xb8: {  	v23 =	vld [tilespmem:s31+$0xFFFFFFE0];
	v27 =	vadd.s32 v50, v27;
	v8 =	vor.u32 v51, v8;
	v36 =	vshll.u32 v58, $0x3  }
0xb9: {  	v20 =	vor.u32 v24, v20;
	v26 =	vld.idx.msk [tilespmem:v26+s9+$0x0], $0xffff;
	v38 =	vand.u32 $0xFFFFFC00, v36;
	v31 =	vshll.u32 v63, $0x3;
	[tilespmem:v61+s14+$0x0] =	vst.idx.msk $0xffff, v57  }
0xba: {  	v34 =	vor.u32 v51, v20;
	v20 =	vand.u32 $0x7F, v58;
	[tilespmem:v29+s14+$0x0] =	vst.idx.msk $0xffff, v60;
	v12 =	vld.idx.msk [tilespmem:v16+s9+$0x0], $0xffff;
	v16 =	vand.u32 $0xFFFFFC00, v22  }
0xbb: {  	v33 =	vshll.u32 v18, $0x3;
	v22 =	vadd.s32 v53, v38;
	v61 =	vand.u32 $0x7F, v18;
	[tilespmem:v32+s14+$0x0] =	vst.idx.msk $0xffff, v19  }
0xbc: {  	v19 =	vor.u32 v24, v27;
	[tilespmem:v17+s14+$0x0] =	vst.idx.msk $0xffff, v21;
	v18 =	vor.u32 v20, v22;
	v21 =	vand.u32 $0xFFFFFC00, v31  }
0xbd: {  	v17 =	vld.idx.msk [tilespmem:v37+s9+$0x0], $0xffff;
	v22 =	vadd.s32 v50, v38;
	v24 =	vand.u32 $0xFFFFFC00, v33;
	v60 =	vor.u32 v49, v19  }
0xbe: {  	v56 =	vld.idx.msk [tilespmem:v8+s9+$0x0], $0xffff;
	v8 =	vand.u32 $0xFFFFFC00, v62;
	v58 =	vor.u32 v51, v18;
	v62 =	vand.u32 $0x7F, v63  }
0xbf: {  	v18 =	vand.u32 $0x7F, v23;
	v23 =	vshll.u32 v23, $0x3;
	[tilespmem:v25+s14+$0x0] =	vst.idx.msk $0xffff, v26;
	v25 =	vadd.s32 v53, v21  }
0xc0: {  	v63 =	vld [tilespmem:s31+$0xFFFFFFC0];
	[tilespmem:v30+s14+$0x0] =	vst.idx.msk $0xffff, v12;
	v12 =	vadd.s32 v50, v21;
	v21 =	vand.u32 $0xFFFFFC00, v23;
	v23 =	vor.u32 v62, v25  }
0xc1: {  	v19 =	vadd.s32 v53, v24;
	v26 =	vadd.s32 v53, v8;
	v59 =	vld.idx.msk [tilespmem:v34+s9+$0x0], $0xffff;
	v57 =	vor.u32 v51, v23  }
0xc2: {  	s20 =	simm.s32 $0x440;
	s19 =	simm.s32 $0x8;
	v55 =	vand.u32 $0x7F, v28;
	[tilespmem:v0+s14+$0x0] =	vst.idx.msk $0xffff, v17;
	v23 =	vadd.s32 v53, v21;
	v17 =	vor.u32 v54, v26  }
.LBB2_4:
0xc3: {  	s19 =	sadd.s32 $0x8, s19;
	v0 =	vadd.s32 v50, v24;
	v24 =	vld.idx.msk [tilespmem:v58+s9+$0x0], $0xffff;
	v20 =	vor.u32 v20, v22;
	v22 =	vadd.s32 v50, v16  }
0xc4: {  	v16 =	vadd.s32 v53, v16;
	v25 =	vld [tilespmem:s20+$0x10];
	p0 =	slt.u32 s19, $0x18;
	v0 =	vor.u32 v61, v0;
	v20 =	vor.u32 v49, v20  }
0xc5: {  	v26 =	vshll.u32 v63, $0x3;
	v23 =	vor.u32 v18, v23;
	v21 =	vadd.s32 v50, v21;
	[tilespmem:v52+s14+$0x0] =	vst.idx.msk $0xffff, v56  }
0xc6: {  	v26 =	vand.u32 $0xFFFFFC00, v26;
	v52 =	vor.u32 v49, v0;
	v0 =	vor.u32 v51, v23;
	v27 =	vld [tilespmem:s20+$0x30];
	[tilespmem:v60+s14+$0x0] =	vst.idx.msk $0xffff, v59  }
0xc7: {  	v28 =	vand.u32 $0x7F, v63;
	v18 =	vor.u32 v18, v21;
	v16 =	vor.u32 v55, v16;
	v23 =	vld [tilespmem:s20+$0xFFFFFFF0]  }
0xc8: {  	v29 =	vadd.s32 v53, v26;
	v26 =	vadd.s32 v50, v26;
	v18 =	vor.u32 v49, v18;
	v21 =	vld [tilespmem:s20+$0x0]  }
0xc9: {  	v29 =	vor.u32 v28, v29;
	v26 =	vor.u32 v28, v26;
	v30 =	vand.u32 $0x7F, v25;
	v31 =	vld [tilespmem:s20+$0x20];
	[tilespmem:v20+s14+$0x0] =	vst.idx.msk $0xffff, v24  }
0xca: {  	v8 =	vadd.s32 v50, v8;
	v16 =	vor.u32 v51, v16;
	v24 =	vor.u32 v51, v29;
	v20 =	vld [tilespmem:s20+$0xFFFFFFD0]  }
0xcb: {  	v19 =	vor.u32 v61, v19;
	v12 =	vor.u32 v62, v12;
	v26 =	vor.u32 v49, v26;
	v63 =	vld [tilespmem:s20+$0xFFFFFFC0]  }
0xcc: {  	v19 =	vor.u32 v51, v19;
	v12 =	vor.u32 v49, v12;
	v28 =	vld [tilespmem:s20+$0xFFFFFFE0];
	v29 =	vand.u32 $0x7F, v23  }
0xcd: {  	v8 =	vor.u32 v54, v8;
	v22 =	vor.u32 v55, v22;
	v54 =	vmovc v30;
	v32 =	vshll.u32 v21, $0x3;
	v0 =	vld.idx.msk [tilespmem:v0+s9+$0x0], $0xffff  }
0xce: {  	v17 =	vor.u32 v51, v17;
	v55 =	vand.u32 $0x7F, v31;
	v30 =	vshll.u32 v31, $0x3;
	v31 =	vld.idx.msk [tilespmem:v57+s9+$0x0], $0xffff  }
0xcf: {  	v33 =	vor.u32 v49, v8;
	v23 =	vshll.u32 v23, $0x3;
	v32 =	vand.u32 $0xFFFFFC00, v32;
	v24 =	vld.idx.msk [tilespmem:v24+s9+$0x0], $0xffff  }
0xd0: {  	v59 =	vor.u32 v49, v22;
	v34 =	vshll.u32 v27, $0x3;
	v23 =	vand.u32 $0xFFFFFC00, v23;
	v57 =	vld.idx.msk [tilespmem:v16+s9+$0x0], $0xffff  }
0xd1: {  	v22 =	vshll.u32 v25, $0x3;
	v8 =	vadd.s32 v53, v23;
	v16 =	vand.u32 $0xFFFFFC00, v30;
	v56 =	vld.idx.msk [tilespmem:v19+s9+$0x0], $0xffff  }
0xd2: {  	v8 =	vor.u32 v29, v8;
	v25 =	vadd.s32 v53, v32;
	v19 =	vshll.u32 v20, $0x3  }
0xd3: {  	v61 =	vand.u32 $0x7F, v20;
	v30 =	vor.u32 v51, v8;
	v20 =	vand.u32 $0x7F, v21;
	v17 =	vld.idx.msk [tilespmem:v17+s9+$0x0], $0xffff  }
0xd4: {  	v8 =	vand.u32 $0xFFFFFC00, v22;
	v21 =	vor.u32 v20, v25;
	v25 =	vand.u32 $0xFFFFFC00, v34;
	[tilespmem:v18+s14+$0x0] =	vst.idx.msk $0xffff, v0  }
0xd5: {  	v62 =	vand.u32 $0x7F, v27;
	v58 =	vor.u32 v51, v21;
	v0 =	vadd.s32 v53, v25;
	[tilespmem:v26+s14+$0x0] =	vst.idx.msk $0xffff, v24  }
.Ltmp1:
0xd6: {  	v22 =	vadd.s32 v50, v32;
	v18 =	vand.u32 $0x7F, v28;
	v26 =	vadd.s32 v53, v8;
	[tilespmem:v12+s14+$0x0] =	vst.idx.msk $0xffff, v31;
	(pc) =	sbr.rel @p0 .LBB2_4-.Ltmp1, $4  }
0xd7: {  	v23 =	vadd.s32 v50, v23;
	v21 =	vshll.u32 v28, $0x3;
	v12 =	vadd.s32 v50, v25;
	[tilespmem:v59+s14+$0x0] =	vst.idx.msk $0xffff, v57  }
0xd8: {  	v23 =	vor.u32 v29, v23;
	v21 =	vand.u32 $0xFFFFFC00, v21;
	v0 =	vor.u32 v62, v0;
	v59 =	vld.idx.msk [tilespmem:v30+s9+$0x0], $0xffff  }
0xd9: {  	v60 =	vor.u32 v49, v23;
	v24 =	vand.u32 $0xFFFFFC00, v19;
	v57 =	vor.u32 v51, v0;
	[tilespmem:v33+s14+$0x0] =	vst.idx.msk $0xffff, v17  }
0xda: {  	s20 =	sadd.s32 $0x80, s20;
	v23 =	vadd.s32 v53, v21;
	v19 =	vadd.s32 v53, v24;
	v17 =	vor.u32 v54, v26  }
0xdb: {  	v24 =	vadd.s32 v50, v24;
	v20 =	vor.u32 v20, v22;
	v22 =	vadd.s32 v50, v16  }
0xdc: {  	v16 =	vadd.s32 v53, v16;
	v25 =	vshll.u32 v63, $0x3;
	v23 =	vor.u32 v18, v23  }
0xdd: {  	s19 =	sor.u32 $0x1, s18;
	v21 =	vadd.s32 v50, v21;
	v26 =	vand.u32 $0x7F, v63;
	v8 =	vadd.s32 v50, v8  }
0xde: {  	v19 =	vor.u32 v61, v19;
	v12 =	vor.u32 v62, v12;
	v0 =	vmov s19  }
0xdf: {  	s31 =	simm.s32 $0x340;
	v17 =	vor.u32 v51, v17;
	v24 =	vor.u32 v61, v24;
	v0 =	vand.u32 $0xFFFFFFFD, v0  }
0xe0: {  	v25 =	vand.u32 $0xFFFFFC00, v25;
	v23 =	vor.u32 v51, v23;
	v27 =	vld [tilespmem:s31+$0x30];
	v0 =	vbroadcast v0, $0x0  }
0xe1: {  	v18 =	vor.u32 v18, v21;
	v28 =	vld [tilespmem:s31+$0xFFFFFFD0];
	v16 =	vor.u32 v55, v16;
	v19 =	vor.u32 v51, v19  }
0xe2: {  	v8 =	vor.u32 v54, v8;
	v22 =	vor.u32 v55, v22;
	v32 =	vld [tilespmem:s31+$0x10];
	v20 =	vor.u32 v49, v20  }
0xe3: {  	v30 =	vld [tilespmem:s31+$0x0];
	v21 =	vadd.s32 v53, v25;
	v25 =	vadd.s32 v50, v25;
	v16 =	vor.u32 v51, v16  }
0xe4: {  	v24 =	vor.u32 v49, v24;
	v21 =	vor.u32 v26, v21;
	v25 =	vor.u32 v26, v25;
	v26 =	vld [tilespmem:s31+$0xFFFFFFE0]  }
0xe5: {  	v33 =	vld [tilespmem:s31+$0x20];
	v18 =	vor.u32 v49, v18;
	v22 =	vor.u32 v49, v22;
	v21 =	vor.u32 v51, v21  }
0xe6: {  	v25 =	vor.u32 v49, v25;
	v37 =	vshll.u32 v27, $0x3;
	v34 =	vand.u32 $0x7F, v28;
	v0 =	vld.idx.msk [tilespmem:v0+s13+$0x0], $0xffff  }
0xe7: {  	v38 =	vshll.u32 v28, $0x3;
	v36 =	vand.u32 $0x7F, v27;
	v63 =	vshll.u32 v32, $0x3  }
0xe8: {  	v29 =	vld [tilespmem:s31+$0xFFFFFFF0];
	v27 =	vadd.s32 $0x1F4, v27;
	v28 =	vadd.s32 $0x1F4, v28;
	v53 =	vand.u32 $0xFFFFFC00, v38  }
0xe9: {  	v54 =	vld [tilespmem:s31+$0xFFFFFFC0];
	v38 =	vshll.u32 v30, $0x3;
	v63 =	vand.u32 $0xFFFFFC00, v63;
	v35 =	vshll.u32 v26, $0x3  }
0xea: {  	v61 =	vand.u32 $0xFFFFFC00, v38;
	v38 =	vand.u32 $0x7F, v26;
	v26 =	vadd.s32 $0x1F4, v26  }
0xeb: {  	v55 =	vand.u32 $0xFFFFFC00, v35;
	v35 =	vshll.u32 v33, $0x3;
	v31 =	vshll.u32 v0, $0x9  }
0xec: {  	v35 =	vand.u32 $0xFFFFFC00, v35;
	v0 =	vshll.u32 v0, $0x7;
	v51 =	vand.u32 $0xFFFFF000, v31  }
0xed: {  	[tilespmem:v52+s14+$0x0] =	vst.idx.msk $0xffff, v56;
	v31 =	vand.u32 $0xFFFFFC00, v37;
	v37 =	vshll.u32 v29, $0x3;
	v52 =	vand.u32 $0x380, v0  }
0xee: {  	v31 =	vadd.s32 v51, v31;
	v62 =	vand.u32 $0xFFFFFC00, v37;
	v37 =	vshll.u32 v54, $0x3  }
0xef: {  	v0 =	vld.idx.msk [tilespmem:v23+s9+$0x0], $0xffff;
	v61 =	vadd.s32 v51, v61;
	v31 =	vor.u32 v36, v31;
	v36 =	vshll.u32 v27, $0x3  }
0xf0: {  	v35 =	vadd.s32 v51, v35;
	v37 =	vand.u32 $0xFFFFFC00, v37;
	v36 =	vand.u32 $0xFFFFFC00, v36  }
0xf1: {  	v27 =	vand.u32 $0x7F, v27;
	v37 =	vadd.s32 v51, v37;
	v36 =	vadd.s32 v50, v36  }
0xf2: {  	v23 =	vor.u32 v52, v31;
	v31 =	vadd.s32 $0x1F4, v54;
	v27 =	vor.u32 v27, v36  }
0xf3: {  	v16 =	vld.idx.msk [tilespmem:v16+s9+$0x0], $0xffff;
	v36 =	vadd.s32 v51, v53;
	v53 =	vadd.s32 v51, v55;
	v55 =	vadd.s32 v51, v62  }
0xf4: {  	v62 =	vadd.s32 v51, v63;
	v63 =	vand.u32 $0x7F, v54;
	[tilespmem:v18+s14+$0x0] =	vst.idx.msk $0xffff, v0;
	v0 =	vshll.u32 v31, $0x3  }
0xf5: {  	v18 =	vshll.u32 v28, $0x3;
	v37 =	vor.u32 v63, v37;
	v63 =	vand.u32 $0x7F, v29  }
0xf6: {  	v34 =	vor.u32 v34, v36;
	v36 =	vand.u32 $0x7F, v30;
	v38 =	vor.u32 v38, v53  }
0xf7: {  	v21 =	vld.idx.msk [tilespmem:v21+s9+$0x0], $0xffff;
	v53 =	vand.u32 $0x7F, v32;
	v27 =	vor.u32 v49, v27;
	v29 =	vadd.s32 $0x1F4, v29  }
0xf8: {  	[tilespmem:v22+s14+$0x0] =	vst.idx.msk $0xffff, v16;
	v30 =	vadd.s32 $0x1F4, v30;
	v0 =	vand.u32 $0xFFFFFC00, v0;
	v16 =	vand.u32 $0xFFFFFC00, v18  }
0xf9: {  	v55 =	vor.u32 v63, v55;
	v63 =	vand.u32 $0x7F, v33;
	v36 =	vor.u32 v36, v61  }
0xfa: {  	v17 =	vld.idx.msk [tilespmem:v17+s9+$0x0], $0xffff;
	v53 =	vor.u32 v53, v62;
	v62 =	vor.u32 v49, v12;
	v37 =	vor.u32 v52, v37  }
0xfb: {  	v12 =	vld.idx.msk [tilespmem:v58+s9+$0x0], $0xffff;
	v58 =	vor.u32 v49, v8;
	v34 =	vor.u32 v52, v34;
	v38 =	vor.u32 v52, v38  }
0xfc: {  	[tilespmem:v25+s14+$0x0] =	vst.idx.msk $0xffff, v21;
	v8 =	vadd.s32 $0x1F4, v32;
	v32 =	vld.idx.msk [tilespmem:v19+s9+$0x0], $0xffff;
	v19 =	vshll.u32 v26, $0x3;
	v21 =	vshll.u32 v30, $0x3  }
0xfd: {  	v61 =	vand.u32 $0x7F, v26;
	v35 =	vor.u32 v63, v35;
	v63 =	vld.idx.msk [tilespmem:v57+s9+$0x0], $0xffff;
	v57 =	vor.u32 v52, v55  }
0xfe: {  	v36 =	vor.u32 v52, v36;
	v53 =	vor.u32 v52, v53;
	v23 =	vld.idx.msk [tilespmem:v23+s9+$0x0], $0xffff;
	v54 =	vshll.u32 v8, $0x3  }
0xff: {  	[tilespmem:v60+s14+$0x0] =	vst.idx.msk $0xffff, v59;
	v18 =	vand.u32 $0xFFFFFC00, v19;
	v22 =	vand.u32 $0xFFFFFC00, v21;
	v21 =	vadd.s32 v50, v0;
	v55 =	vld.idx.msk [tilespmem:v37+s9+$0x0], $0xffff  }
0x100: {  	v35 =	vor.u32 v52, v35;
	v25 =	vand.u32 $0xFFFFFC00, v54;
	[tilespmem:v20+s14+$0x0] =	vst.idx.msk $0xffff, v12;
	v12 =	vadd.s32 $0x1F4, v33;
	v60 =	vld.idx.msk [tilespmem:v34+s9+$0x0], $0xffff  }
0x101: {  	[tilespmem:v58+s14+$0x0] =	vst.idx.msk $0xffff, v17;
	v58 =	vld.idx.msk [tilespmem:v38+s9+$0x0], $0xffff;
	v17 =	vadd.s32 v50, v16;
	v16 =	vadd.s32 v50, v18  }
0x102: {  	v20 =	vshll.u32 v29, $0x3;
	v18 =	vadd.s32 v50, v22;
	[tilespmem:v24+s14+$0x0] =	vst.idx.msk $0xffff, v32;
	v33 =	vshll.u32 v12, $0x3;
	v56 =	vld.idx.msk [tilespmem:v57+s9+$0x0], $0xffff  }
0x103: {  	[tilespmem:v62+s14+$0x0] =	vst.idx.msk $0xffff, v63;
	v19 =	vand.u32 $0xFFFFFC00, v20;
	v57 =	vld.idx.msk [tilespmem:v53+s9+$0x0], $0xffff;
	v63 =	vand.u32 $0x7F, v31;
	v53 =	vand.u32 $0x7F, v28  }
0x104: {  	v59 =	vld.idx.msk [tilespmem:v36+s9+$0x0], $0xffff;
	[tilespmem:v27+s14+$0x0] =	vst.idx.msk $0xffff, v23;
	v62 =	vand.u32 $0x7F, v29;
	v23 =	vand.u32 $0x7F, v30;
	v33 =	vand.u32 $0xFFFFFC00, v33  }
0x105: {  	s20 =	simm.s32 $0x3C0;
	s19 =	simm.s32 $0x0;
	v20 =	vadd.s32 v50, v19;
	v19 =	vadd.s32 v50, v25;
	v54 =	vld.idx.msk [tilespmem:v35+s9+$0x0], $0xffff;
	v22 =	vadd.s32 v50, v33  }
.LBB2_6:
0x106: {  	v0 =	vld [tilespmem:s20+$0x30];
	s19 =	sadd.s32 $0x8, s19;
	v21 =	vor.u32 v63, v21;
	v8 =	vand.u32 $0x7F, v8;
	v12 =	vand.u32 $0x7F, v12  }
0x107: {  	v17 =	vor.u32 v53, v17;
	v16 =	vor.u32 v61, v16;
	v20 =	vor.u32 v62, v20;
	v24 =	vld [tilespmem:s20+$0xFFFFFFD0];
	p0 =	slt.u32 s19, $0x18  }
0x108: {  	v18 =	vor.u32 v23, v18;
	v8 =	vor.u32 v8, v19;
	v12 =	vor.u32 v12, v22;
	v25 =	vld [tilespmem:s20+$0xFFFFFFE0]  }
0x109: {  	v21 =	vor.u32 v49, v21;
	v17 =	vor.u32 v49, v17;
	v16 =	vor.u32 v49, v16;
	v19 =	vld [tilespmem:s20+$0xFFFFFFF0]  }
0x10a: {  	v20 =	vor.u32 v49, v20;
	v18 =	vor.u32 v49, v18;
	v8 =	vor.u32 v49, v8;
	v22 =	vld [tilespmem:s20+$0x0]  }
0x10b: {  	v12 =	vor.u32 v49, v12;
	v23 =	vld [tilespmem:s20+$0x10];
	v26 =	vshll.u32 v0, $0x3  }
0x10c: {  	v27 =	vand.u32 $0x7F, v24;
	v28 =	vshll.u32 v24, $0x3;
	v29 =	vld [tilespmem:s20+$0x20];
	v26 =	vand.u32 $0xFFFFFC00, v26  }
0x10d: {  	v32 =	vand.u32 $0x7F, v0;
	v30 =	vld [tilespmem:s20+$0xFFFFFFC0];
	v31 =	vshll.u32 v25, $0x3;
	v26 =	vadd.s32 v51, v26  }
0x10e: {  	v28 =	vand.u32 $0xFFFFFC00, v28;
	v33 =	vshll.u32 v19, $0x3;
	v26 =	vor.u32 v32, v26;
	[tilespmem:v21+s14+$0x0] =	vst.idx.msk $0xffff, v55  }
0x10f: {  	v21 =	vand.u32 $0xFFFFFC00, v31;
	v31 =	vshll.u32 v22, $0x3;
	v26 =	vor.u32 v52, v26;
	[tilespmem:v17+s14+$0x0] =	vst.idx.msk $0xffff, v60  }
0x110: {  	v0 =	vadd.s32 $0x1F4, v0;
	v17 =	vand.u32 $0xFFFFFC00, v33;
	v32 =	vshll.u32 v23, $0x3;
	[tilespmem:v16+s14+$0x0] =	vst.idx.msk $0xffff, v58  }
0x111: {  	v33 =	vshll.u32 v0, $0x3;
	v16 =	vand.u32 $0xFFFFFC00, v31;
	v31 =	vshll.u32 v29, $0x3;
	[tilespmem:v20+s14+$0x0] =	vst.idx.msk $0xffff, v56  }
0x112: {  	v33 =	vand.u32 $0xFFFFFC00, v33;
	v32 =	vand.u32 $0xFFFFFC00, v32;
	v20 =	vshll.u32 v30, $0x3;
	[tilespmem:v18+s14+$0x0] =	vst.idx.msk $0xffff, v59  }
0x113: {  	v0 =	vand.u32 $0x7F, v0;
	v18 =	vand.u32 $0xFFFFFC00, v20;
	v20 =	vadd.s32 v50, v33;
	[tilespmem:v8+s14+$0x0] =	vst.idx.msk $0xffff, v57  }
0x114: {  	v8 =	vadd.s32 v51, v18;
	v18 =	vand.u32 $0xFFFFFC00, v31;
	v26 =	vld.idx.msk [tilespmem:v26+s9+$0x0], $0xffff;
	v0 =	vor.u32 v0, v20  }
0x115: {  	v21 =	vadd.s32 v51, v21;
	v20 =	vadd.s32 v51, v28;
	v0 =	vor.u32 v49, v0  }
0x116: {  	v17 =	vadd.s32 v51, v17;
	v16 =	vadd.s32 v51, v16;
	v28 =	vadd.s32 v51, v32  }
0x117: {  	v31 =	vand.u32 $0x7F, v30;
	v32 =	vand.u32 $0x7F, v25;
	v18 =	vadd.s32 v51, v18;
	[tilespmem:v12+s14+$0x0] =	vst.idx.msk $0xffff, v54  }
0x118: {  	v34 =	vand.u32 $0x7F, v23;
	v33 =	vand.u32 $0x7F, v22;
	v12 =	vand.u32 $0x7F, v19  }
0x119: {  	v8 =	vor.u32 v31, v8;
	v20 =	vor.u32 v27, v20;
	v27 =	vand.u32 $0x7F, v29  }
0x11a: {  	v30 =	vadd.s32 $0x1F4, v30;
	v21 =	vor.u32 v32, v21;
	v12 =	vor.u32 v12, v17;
	[tilespmem:v0+s14+$0x0] =	vst.idx.msk $0xffff, v26  }
0x11b: {  	v17 =	vor.u32 v27, v18;
	v0 =	vor.u32 v33, v16;
	v16 =	vor.u32 v34, v28  }
0x11c: {  	v20 =	vor.u32 v52, v20;
	v21 =	vor.u32 v52, v21;
	v18 =	vor.u32 v52, v8  }
0x11d: {  	v26 =	vor.u32 v52, v12;
	v0 =	vor.u32 v52, v0;
	v27 =	vor.u32 v52, v16  }
0x11e: {  	v24 =	vadd.s32 $0x1F4, v24;
	v25 =	vadd.s32 $0x1F4, v25;
	v28 =	vor.u32 v52, v17  }
0x11f: {  	v31 =	vadd.s32 $0x1F4, v19;
	v32 =	vadd.s32 $0x1F4, v22;
	v8 =	vadd.s32 $0x1F4, v23  }
0x120: {  	v17 =	vshll.u32 v24, $0x3;
	v12 =	vadd.s32 $0x1F4, v29;
	v16 =	vshll.u32 v30, $0x3  }
0x121: {  	v22 =	vshll.u32 v32, $0x3;
	v19 =	vshll.u32 v31, $0x3;
	v55 =	vld.idx.msk [tilespmem:v18+s9+$0x0], $0xffff;
	v18 =	vshll.u32 v25, $0x3  }
0x122: {  	v23 =	vshll.u32 v12, $0x3;
	v16 =	vand.u32 $0xFFFFFC00, v16;
	v60 =	vld.idx.msk [tilespmem:v20+s9+$0x0], $0xffff;
	v20 =	vshll.u32 v8, $0x3  }
0x123: {  	v19 =	vand.u32 $0xFFFFFC00, v19;
	v17 =	vand.u32 $0xFFFFFC00, v17;
	v18 =	vand.u32 $0xFFFFFC00, v18;
	v58 =	vld.idx.msk [tilespmem:v21+s9+$0x0], $0xffff  }
.Ltmp2:
0x124: {  	v22 =	vand.u32 $0xFFFFFC00, v22;
	v23 =	vand.u32 $0xFFFFFC00, v23;
	v56 =	vld.idx.msk [tilespmem:v26+s9+$0x0], $0xffff;
	v26 =	vand.u32 $0xFFFFFC00, v20;
	(pc) =	sbr.rel @p0 .LBB2_6-.Ltmp2, $4  }
0x125: {  	v17 =	vadd.s32 v50, v17;
	v21 =	vadd.s32 v50, v16;
	v16 =	vadd.s32 v50, v18;
	v59 =	vld.idx.msk [tilespmem:v0+s9+$0x0], $0xffff  }
0x126: {  	v18 =	vadd.s32 v50, v22;
	v20 =	vadd.s32 v50, v19;
	v19 =	vadd.s32 v50, v26;
	v57 =	vld.idx.msk [tilespmem:v27+s9+$0x0], $0xffff  }
0x127: {  	v53 =	vand.u32 $0x7F, v24;
	v63 =	vand.u32 $0x7F, v30;
	v22 =	vadd.s32 v50, v23;
	v54 =	vld.idx.msk [tilespmem:v28+s9+$0x0], $0xffff  }
0x128: {  	s20 =	sadd.s32 $0x80, s20;
	v61 =	vand.u32 $0x7F, v25;
	v62 =	vand.u32 $0x7F, v31;
	v23 =	vand.u32 $0x7F, v32  }
0x129: {  	s19 =	sor.u32 $0x2, s18  }
0x12a: {  	v21 =	vor.u32 v63, v21;
	v8 =	vand.u32 $0x7F, v8;
	s20 =	simm.s32 $0x340;
	v0 =	vmov s19  }
0x12b: {  	v12 =	vand.u32 $0x7F, v12;
	v18 =	vor.u32 v23, v18;
	v23 =	vld [tilespmem:s20+$0x10];
	v0 =	vand.u32 $0xFFFFFFFE, v0  }
0x12c: {  	v8 =	vor.u32 v8, v19;
	v19 =	vor.u32 v49, v21;
	v21 =	vld [tilespmem:s20+$0xFFFFFFF0];
	v0 =	vbroadcast v0, $0x0  }
0x12d: {  	v17 =	vor.u32 v53, v17;
	v12 =	vor.u32 v12, v22;
	v22 =	vld [tilespmem:s20+$0x0]  }
0x12e: {  	v16 =	vor.u32 v61, v16;
	v20 =	vor.u32 v62, v20;
	v17 =	vor.u32 v49, v17;
	s19 =	sshrl.u32 s19, $0x1;
	v25 =	vld [tilespmem:s20+$0x20]  }
0x12f: {  	v16 =	vor.u32 v49, v16;
	v20 =	vor.u32 v49, v20;
	v31 =	vld [tilespmem:s20+$0xFFFFFFE0];
	v26 =	vmov s19  }
0x130: {  	v18 =	vor.u32 v49, v18;
	v38 =	vld [tilespmem:s20+$0xFFFFFFC0];
	v8 =	vor.u32 v49, v8;
	v27 =	vshll.u32 v26, $0xA  }
0x131: {  	v12 =	vor.u32 v49, v12;
	v26 =	vshll.u32 v26, $0x7;
	v52 =	vand.u32 $0x2000, v27  }
0x132: {  	v49 =	vand.u32 $0x380, v26;
	v26 =	vand.u32 $0x7F, v23;
	v27 =	vand.u32 $0x7F, v21;
	v0 =	vld.idx.msk [tilespmem:v0+s13+$0x0], $0xffff  }
0x133: {  	v28 =	vshll.u32 v22, $0x3;
	v29 =	vand.u32 $0x7F, v25;
	v25 =	vshll.u32 v25, $0x3  }
0x134: {  	v21 =	vshll.u32 v21, $0x3;
	v23 =	vshll.u32 v23, $0x3;
	v22 =	vand.u32 $0x7F, v22  }
0x135: {  	v36 =	vand.u32 $0x7F, v31;
	v31 =	vshll.u32 v31, $0x3;
	v62 =	vshll.u32 v38, $0x3  }
0x136: {  	v38 =	vand.u32 $0x7F, v38;
	v28 =	vand.u32 $0xFFFFFC00, v28;
	v21 =	vand.u32 $0xFFFFFC00, v21  }
0x137: {  	v25 =	vand.u32 $0xFFFFFC00, v25;
	v23 =	vand.u32 $0xFFFFFC00, v23;
	v24 =	vshll.u32 v0, $0x9  }
0x138: {  	[tilespmem:v19+s14+$0x0] =	vst.idx.msk $0xffff, v55;
	v31 =	vand.u32 $0xFFFFFC00, v31;
	v0 =	vshll.u32 v0, $0x7;
	v53 =	vand.u32 $0xFFFFF000, v24  }
0x139: {  	s31 =	simm.s32 $0x3C0;
	[tilespmem:v17+s14+$0x0] =	vst.idx.msk $0xffff, v60;
	v19 =	vand.u32 $0xFFFFFC00, v62;
	v50 =	vand.u32 $0x380, v0;
	v32 =	vadd.s32 v53, v21  }
0x13a: {  	v17 =	vld [tilespmem:s31+$0xFFFFFFF0];
	v34 =	vadd.s32 v53, v28;
	v28 =	vadd.s32 v52, v28;
	v37 =	vadd.s32 v53, v23  }
0x13b: {  	v21 =	vadd.s32 v52, v21;
	v51 =	vadd.s32 v53, v31;
	v31 =	vadd.s32 v52, v31  }
0x13c: {  	v23 =	vadd.s32 v52, v23;
	v32 =	vor.u32 v27, v32;
	v34 =	vor.u32 v22, v34  }
0x13d: {  	v21 =	vor.u32 v27, v21;
	v37 =	vor.u32 v26, v37;
	v22 =	vor.u32 v22, v28  }
0x13e: {  	v24 =	vld [tilespmem:s20+$0x30];
	v28 =	vadd.s32 v52, v25;
	v25 =	vadd.s32 v53, v25;
	v63 =	vor.u32 v36, v51  }
0x13f: {  	v0 =	vld [tilespmem:s20+$0xFFFFFFD0];
	v31 =	vor.u32 v36, v31;
	v23 =	vor.u32 v26, v23;
	v26 =	vand.u32 $0x7F, v17  }
0x140: {  	v17 =	vshll.u32 v17, $0x3;
	v32 =	vor.u32 v50, v32;
	v34 =	vor.u32 v50, v34  }
0x141: {  	v21 =	vor.u32 v49, v21;
	v22 =	vor.u32 v49, v22;
	v25 =	vor.u32 v29, v25  }
0x142: {  	v31 =	vor.u32 v49, v31;
	v28 =	vor.u32 v29, v28;
	v37 =	vor.u32 v50, v37  }
0x143: {  	v23 =	vor.u32 v49, v23;
	v17 =	vand.u32 $0xFFFFFC00, v17;
	v25 =	vor.u32 v50, v25  }
0x144: {  	[tilespmem:v16+s14+$0x0] =	vst.idx.msk $0xffff, v58;
	v28 =	vor.u32 v49, v28;
	v30 =	vshll.u32 v24, $0x3;
	v33 =	vshll.u32 v0, $0x3  }
0x145: {  	v61 =	vld [tilespmem:s31+$0x10];
	[tilespmem:v18+s14+$0x0] =	vst.idx.msk $0xffff, v59;
	v0 =	vand.u32 $0x7F, v0;
	v24 =	vand.u32 $0x7F, v24;
	v30 =	vand.u32 $0xFFFFFC00, v30  }
0x146: {  	v16 =	vld [tilespmem:s31+$0xFFFFFFD0];
	[tilespmem:v12+s14+$0x0] =	vst.idx.msk $0xffff, v54;
	v33 =	vand.u32 $0xFFFFFC00, v33;
	v35 =	vadd.s32 v53, v30;
	v30 =	vadd.s32 v52, v30  }
0x147: {  	v36 =	vld [tilespmem:s31+$0x0];
	v27 =	vor.u32 v24, v35;
	v35 =	vadd.s32 v53, v33;
	v33 =	vadd.s32 v52, v33  }
0x148: {  	v12 =	vadd.s32 v53, v17;
	v32 =	vld.idx.msk [tilespmem:v32+s9+$0x0], $0xffff;
	v24 =	vor.u32 v24, v30;
	v33 =	vor.u32 v0, v33  }
0x149: {  	v30 =	vld [tilespmem:s31+$0x30];
	v27 =	vor.u32 v50, v27;
	v0 =	vor.u32 v0, v35;
	v51 =	vor.u32 v49, v33  }
0x14a: {  	v34 =	vld.idx.msk [tilespmem:v34+s9+$0x0], $0xffff;
	v33 =	vor.u32 v50, v63;
	v63 =	vadd.s32 v53, v19;
	v19 =	vadd.s32 v52, v19  }
0x14b: {  	v0 =	vor.u32 v50, v0;
	v60 =	vor.u32 v38, v63;
	v19 =	vor.u32 v38, v19;
	v38 =	vld [tilespmem:s31+$0x20]  }
0x14c: {  	v17 =	vadd.s32 v52, v17;
	v29 =	vshll.u32 v36, $0x3;
	v25 =	vld.idx.msk [tilespmem:v25+s9+$0x0], $0xffff;
	v35 =	vor.u32 v50, v60  }
0x14d: {  	[tilespmem:v8+s14+$0x0] =	vst.idx.msk $0xffff, v57;
	v12 =	vor.u32 v26, v12;
	v17 =	vor.u32 v26, v17;
	v29 =	vand.u32 $0xFFFFFC00, v29;
	v60 =	vld [tilespmem:s31+$0xFFFFFFE0]  }
0x14e: {  	v24 =	vor.u32 v49, v24;
	v57 =	vadd.s32 v53, v29;
	v19 =	vor.u32 v49, v19;
	v8 =	vld.idx.msk [tilespmem:v27+s9+$0x0], $0xffff  }
0x14f: {  	v55 =	vand.u32 $0x7F, v61;
	[tilespmem:v22+s14+$0x0] =	vst.idx.msk $0xffff, v34;
	v22 =	vadd.s32 v52, v29;
	v27 =	vshll.u32 v30, $0x3;
	v18 =	vld.idx.msk [tilespmem:v33+s9+$0x0], $0xffff  }
0x150: {  	[tilespmem:v20+s14+$0x0] =	vst.idx.msk $0xffff, v56;
	v54 =	vld.idx.msk [tilespmem:v0+s9+$0x0], $0xffff;
	v0 =	vor.u32 v50, v12;
	v56 =	vand.u32 $0x7F, v38;
	v20 =	vshll.u32 v38, $0x3  }
0x151: {  	v38 =	vshll.u32 v16, $0x3;
	v33 =	vld.idx.msk [tilespmem:v35+s9+$0x0], $0xffff;
	v35 =	vshll.u32 v61, $0x3;
	v62 =	vand.u32 $0xFFFFFC00, v20  }
0x152: {  	[tilespmem:v21+s14+$0x0] =	vst.idx.msk $0xffff, v32;
	v61 =	vand.u32 $0x7F, v16;
	v20 =	vand.u32 $0x7F, v36;
	v36 =	vld.idx.msk [tilespmem:v37+s9+$0x0], $0xffff;
	v16 =	vand.u32 $0xFFFFFC00, v27  }
0x153: {  	[tilespmem:v28+s14+$0x0] =	vst.idx.msk $0xffff, v25;
	v12 =	vor.u32 v20, v57;
	v63 =	vand.u32 $0xFFFFFC00, v35;
	v27 =	vadd.s32 v53, v16  }
0x154: {  	v16 =	vadd.s32 v52, v16;
	v58 =	vor.u32 v50, v12;
	v12 =	vand.u32 $0x7F, v30;
	[tilespmem:v24+s14+$0x0] =	vst.idx.msk $0xffff, v8  }
0x155: {  	v37 =	vadd.s32 v53, v63;
	v8 =	vshll.u32 v60, $0x3;
	v24 =	vand.u32 $0xFFFFFC00, v38;
	[tilespmem:v31+s14+$0x0] =	vst.idx.msk $0xffff, v18  }
0x156: {  	v18 =	vand.u32 $0x7F, v60;
	v21 =	vand.u32 $0xFFFFFC00, v8;
	v8 =	vld [tilespmem:s31+$0xFFFFFFC0];
	v60 =	vor.u32 v49, v17;
	[tilespmem:v19+s14+$0x0] =	vst.idx.msk $0xffff, v33  }
0x157: {  	v59 =	vld.idx.msk [tilespmem:v0+s9+$0x0], $0xffff;
	v17 =	vor.u32 v55, v37;
	v19 =	vor.u32 v12, v27;
	[tilespmem:v23+s14+$0x0] =	vst.idx.msk $0xffff, v36  }
0x158: {  	s19 =	simm.s32 $0x8;
	s20 =	simm.s32 $0x440;
	v23 =	vadd.s32 v53, v21;
	v57 =	vor.u32 v50, v19;
	v19 =	vadd.s32 v53, v24  }
.LBB2_8:
0x159: {  	s19 =	sadd.s32 $0x8, s19;
	v0 =	vadd.s32 v52, v24;
	v24 =	vld.idx.msk [tilespmem:v58+s9+$0x0], $0xffff;
	v20 =	vor.u32 v20, v22;
	v22 =	vadd.s32 v52, v62  }
0x15a: {  	v26 =	vadd.s32 v53, v62;
	v25 =	vld [tilespmem:s20+$0x10];
	p0 =	slt.u32 s19, $0x18;
	v0 =	vor.u32 v61, v0;
	v20 =	vor.u32 v49, v20  }
0x15b: {  	v27 =	vshll.u32 v8, $0x3;
	v23 =	vor.u32 v18, v23;
	v21 =	vadd.s32 v52, v21;
	[tilespmem:v51+s14+$0x0] =	vst.idx.msk $0xffff, v54  }
0x15c: {  	v27 =	vand.u32 $0xFFFFFC00, v27;
	v51 =	vor.u32 v49, v0;
	v0 =	vor.u32 v50, v23;
	v28 =	vld [tilespmem:s20+$0x30];
	[tilespmem:v60+s14+$0x0] =	vst.idx.msk $0xffff, v59  }
0x15d: {  	v8 =	vand.u32 $0x7F, v8;
	v18 =	vor.u32 v18, v21;
	v21 =	vor.u32 v56, v26;
	v23 =	vld [tilespmem:s20+$0xFFFFFFF0]  }
0x15e: {  	v29 =	vadd.s32 v53, v27;
	v27 =	vadd.s32 v52, v27;
	v18 =	vor.u32 v49, v18;
	v26 =	vld [tilespmem:s20+$0x0]  }
0x15f: {  	v29 =	vor.u32 v8, v29;
	v27 =	vor.u32 v8, v27;
	v30 =	vand.u32 $0x7F, v25;
	v31 =	vld [tilespmem:s20+$0x20];
	[tilespmem:v20+s14+$0x0] =	vst.idx.msk $0xffff, v24  }
0x160: {  	v21 =	vor.u32 v50, v21;
	v24 =	vor.u32 v50, v29;
	v29 =	vadd.s32 v52, v63;
	v20 =	vld [tilespmem:s20+$0xFFFFFFD0]  }
0x161: {  	v19 =	vor.u32 v61, v19;
	v12 =	vor.u32 v12, v16;
	v27 =	vor.u32 v49, v27;
	v8 =	vld [tilespmem:s20+$0xFFFFFFC0]  }
0x162: {  	v19 =	vor.u32 v50, v19;
	v33 =	vor.u32 v49, v12;
	v16 =	vld [tilespmem:s20+$0xFFFFFFE0];
	v32 =	vand.u32 $0x7F, v23  }
0x163: {  	v22 =	vor.u32 v56, v22;
	v29 =	vor.u32 v55, v29;
	v55 =	vmovc v30;
	v12 =	vshll.u32 v26, $0x3;
	v0 =	vld.idx.msk [tilespmem:v0+s9+$0x0], $0xffff  }
0x164: {  	v17 =	vor.u32 v50, v17;
	v56 =	vand.u32 $0x7F, v31;
	v30 =	vshll.u32 v31, $0x3;
	v31 =	vld.idx.msk [tilespmem:v57+s9+$0x0], $0xffff  }
0x165: {  	v29 =	vor.u32 v49, v29;
	v23 =	vshll.u32 v23, $0x3;
	v34 =	vand.u32 $0xFFFFFC00, v12;
	v24 =	vld.idx.msk [tilespmem:v24+s9+$0x0], $0xffff  }
0x166: {  	v35 =	vor.u32 v49, v22;
	v23 =	vand.u32 $0xFFFFFC00, v23;
	v12 =	vshll.u32 v28, $0x3;
	v21 =	vld.idx.msk [tilespmem:v21+s9+$0x0], $0xffff  }
0x167: {  	v25 =	vshll.u32 v25, $0x3;
	v22 =	vadd.s32 v53, v23;
	v62 =	vand.u32 $0xFFFFFC00, v30;
	v54 =	vld.idx.msk [tilespmem:v19+s9+$0x0], $0xffff  }
0x168: {  	v22 =	vor.u32 v32, v22;
	v30 =	vadd.s32 v53, v34;
	v19 =	vshll.u32 v20, $0x3  }
0x169: {  	v61 =	vand.u32 $0x7F, v20;
	v36 =	vor.u32 v50, v22;
	v20 =	vand.u32 $0x7F, v26;
	v17 =	vld.idx.msk [tilespmem:v17+s9+$0x0], $0xffff  }
0x16a: {  	v63 =	vand.u32 $0xFFFFFC00, v25;
	v25 =	vand.u32 $0xFFFFFC00, v12;
	v22 =	vor.u32 v20, v30;
	[tilespmem:v18+s14+$0x0] =	vst.idx.msk $0xffff, v0  }
0x16b: {  	v12 =	vand.u32 $0x7F, v28;
	v58 =	vor.u32 v50, v22;
	v0 =	vadd.s32 v53, v25;
	[tilespmem:v27+s14+$0x0] =	vst.idx.msk $0xffff, v24  }
.Ltmp3:
0x16c: {  	v26 =	vadd.s32 v53, v63;
	v22 =	vadd.s32 v52, v34;
	v18 =	vand.u32 $0x7F, v16;
	[tilespmem:v33+s14+$0x0] =	vst.idx.msk $0xffff, v31;
	(pc) =	sbr.rel @p0 .LBB2_8-.Ltmp3, $4  }
0x16d: {  	v23 =	vadd.s32 v52, v23;
	v24 =	vshll.u32 v16, $0x3;
	v16 =	vadd.s32 v52, v25;
	[tilespmem:v35+s14+$0x0] =	vst.idx.msk $0xffff, v21  }
0x16e: {  	v23 =	vor.u32 v32, v23;
	v0 =	vor.u32 v12, v0;
	v21 =	vand.u32 $0xFFFFFC00, v24;
	v59 =	vld.idx.msk [tilespmem:v36+s9+$0x0], $0xffff  }
0x16f: {  	v60 =	vor.u32 v49, v23;
	v57 =	vor.u32 v50, v0;
	v24 =	vand.u32 $0xFFFFFC00, v19;
	[tilespmem:v29+s14+$0x0] =	vst.idx.msk $0xffff, v17  }
0x170: {  	s20 =	sadd.s32 $0x80, s20;
	v19 =	vadd.s32 v53, v24;
	v23 =	vadd.s32 v53, v21;
	v17 =	vor.u32 v55, v26  }
0x171: {  	v0 =	vadd.s32 v52, v24;
	v20 =	vor.u32 v20, v22;
	v22 =	vadd.s32 v52, v62  }
0x172: {  	v25 =	vadd.s32 v53, v62;
	v26 =	vshll.u32 v8, $0x3;
	v23 =	vor.u32 v18, v23  }
0x173: {  	v21 =	vadd.s32 v52, v21;
	v8 =	vand.u32 $0x7F, v8;
	v19 =	vor.u32 v61, v19  }
0x174: {  	s19 =	sor.u32 $0x3, s18;
	v12 =	vor.u32 v12, v16;
	v17 =	vor.u32 v50, v17;
	v0 =	vor.u32 v61, v0  }
0x175: {  	v24 =	vmov s19;
	v20 =	vor.u32 v49, v20;
	v26 =	vand.u32 $0xFFFFFC00, v26  }
0x176: {  	s20 =	simm.s32 $0x340;
	v18 =	vor.u32 v18, v21;
	v21 =	vor.u32 v56, v25;
	v19 =	vor.u32 v50, v19  }
0x177: {  	v16 =	vld [tilespmem:s20+$0x30];
	v12 =	vor.u32 v49, v12;
	v22 =	vor.u32 v56, v22;
	v62 =	vor.u32 v49, v0  }
0x178: {  	s19 =	sshrl.u32 s19, $0x1;
	v27 =	vld [tilespmem:s20+$0xFFFFFFE0];
	v0 =	vor.u32 v50, v23;
	v23 =	vadd.s32 v53, v26;
	v25 =	vadd.s32 v52, v26  }
0x179: {  	v30 =	vld [tilespmem:s20+$0xFFFFFFF0];
	v18 =	vor.u32 v49, v18;
	v21 =	vor.u32 v50, v21;
	v28 =	vmov s19  }
0x17a: {  	v35 =	vld [tilespmem:s20+$0xFFFFFFC0];
	v22 =	vor.u32 v49, v22;
	v23 =	vor.u32 v8, v23;
	v8 =	vor.u32 v8, v25  }
0x17b: {  	v26 =	vld [tilespmem:s20+$0xFFFFFFD0];
	v25 =	vadd.s32 v52, v63;
	v61 =	vshll.u32 v28, $0xA;
	v28 =	vshll.u32 v28, $0x7  }
0x17c: {  	v23 =	vor.u32 v50, v23;
	v8 =	vor.u32 v49, v8;
	v25 =	vor.u32 v55, v25  }
0x17d: {  	[tilespmem:v51+s14+$0x0] =	vst.idx.msk $0xffff, v54;
	v53 =	vld [tilespmem:s20+$0x20];
	v50 =	vand.u32 $0x2000, v61;
	v51 =	vand.u32 $0x380, v28;
	v25 =	vor.u32 v49, v25  }
0x17e: {  	v32 =	vshll.u32 v16, $0x3;
	v36 =	vshll.u32 v27, $0x3;
	v37 =	vand.u32 $0x7F, v16  }
0x17f: {  	v24 =	vld.idx.msk [tilespmem:v24+s13+$0x0], $0xffff;
	v38 =	vshll.u32 v30, $0x3;
	v16 =	vadd.s32 $0x1F4, v16;
	v61 =	vshll.u32 v35, $0x3  }
0x180: {  	v33 =	vand.u32 $0x7F, v26;
	v34 =	vshll.u32 v26, $0x3;
	v32 =	vand.u32 $0xFFFFFC00, v32  }
0x181: {  	v36 =	vand.u32 $0xFFFFFC00, v36;
	v38 =	vand.u32 $0xFFFFFC00, v38;
	v63 =	vshll.u32 v16, $0x3  }
0x182: {  	v56 =	vand.u32 $0xFFFFFC00, v61;
	v16 =	vand.u32 $0x7F, v16;
	v61 =	vshll.u32 v53, $0x3  }
0x183: {  	v26 =	vadd.s32 $0x1F4, v26;
	v34 =	vand.u32 $0xFFFFFC00, v34;
	v52 =	vand.u32 $0xFFFFFC00, v63  }
0x184: {  	v31 =	vld [tilespmem:s20+$0x0];
	v63 =	vand.u32 $0x7F, v35;
	v52 =	vadd.s32 v50, v52;
	v29 =	vshll.u32 v24, $0x9  }
0x185: {  	v16 =	vor.u32 v16, v52;
	v52 =	vand.u32 $0xFFFFFC00, v61;
	v49 =	vand.u32 $0xFFFFF000, v29  }
0x186: {  	v61 =	vand.u32 $0x7F, v30;
	v24 =	vshll.u32 v24, $0x7;
	v29 =	vld [tilespmem:s20+$0x10];
	v32 =	vadd.s32 v49, v32  }
0x187: {  	v56 =	vadd.s32 v49, v56;
	v34 =	vadd.s32 v49, v34;
	v36 =	vadd.s32 v49, v36  }
0x188: {  	v38 =	vadd.s32 v49, v38;
	v52 =	vadd.s32 v49, v52;
	v32 =	vor.u32 v37, v32  }
0x189: {  	v37 =	vshll.u32 v31, $0x3;
	v56 =	vor.u32 v63, v56;
	v63 =	vand.u32 $0x7F, v27  }
0x18a: {  	v33 =	vor.u32 v33, v34;
	v37 =	vand.u32 $0xFFFFFC00, v37;
	v34 =	vor.u32 v63, v36  }
0x18b: {  	v0 =	vld.idx.msk [tilespmem:v0+s9+$0x0], $0xffff;
	v63 =	vand.u32 $0x7F, v31;
	v37 =	vadd.s32 v49, v37;
	v55 =	vshll.u32 v29, $0x3  }
0x18c: {  	v21 =	vld.idx.msk [tilespmem:v21+s9+$0x0], $0xffff;
	v36 =	vor.u32 v61, v38;
	v37 =	vor.u32 v63, v37;
	v55 =	vand.u32 $0xFFFFFC00, v55  }
0x18d: {  	v23 =	vld.idx.msk [tilespmem:v23+s9+$0x0], $0xffff;
	v61 =	vand.u32 $0x7F, v29;
	v63 =	vand.u32 $0x7F, v53;
	v55 =	vadd.s32 v49, v55  }
0x18e: {  	v38 =	vor.u32 v61, v55;
	v61 =	vor.u32 v63, v52;
	v63 =	vld.idx.msk [tilespmem:v58+s9+$0x0], $0xffff;
	v52 =	vand.u32 $0x380, v24  }
0x18f: {  	v30 =	vadd.s32 $0x1F4, v30;
	v28 =	vor.u32 v51, v16;
	v24 =	vor.u32 v52, v32  }
0x190: {  	[tilespmem:v18+s14+$0x0] =	vst.idx.msk $0xffff, v0;
	v18 =	vshll.u32 v26, $0x3;
	v32 =	vadd.s32 $0x1F4, v35;
	v35 =	vor.u32 v52, v56  }
0x191: {  	[tilespmem:v22+s14+$0x0] =	vst.idx.msk $0xffff, v21;
	v18 =	vand.u32 $0xFFFFFC00, v18;
	v16 =	vadd.s32 $0x1F4, v29;
	v29 =	vld.idx.msk [tilespmem:v19+s9+$0x0], $0xffff;
	v33 =	vor.u32 v52, v33  }
0x192: {  	v27 =	vadd.s32 $0x1F4, v27;
	[tilespmem:v8+s14+$0x0] =	vst.idx.msk $0xffff, v23;
	v23 =	vshll.u32 v30, $0x3;
	v34 =	vor.u32 v52, v34;
	v56 =	vld.idx.msk [tilespmem:v57+s9+$0x0], $0xffff  }
0x193: {  	v21 =	vadd.s32 v50, v18;
	v36 =	vor.u32 v52, v36;
	[tilespmem:v20+s14+$0x0] =	vst.idx.msk $0xffff, v63;
	v20 =	vld.idx.msk [tilespmem:v17+s9+$0x0], $0xffff  }
0x194: {  	[tilespmem:v60+s14+$0x0] =	vst.idx.msk $0xffff, v59;
	v31 =	vadd.s32 $0x1F4, v31;
	v22 =	vand.u32 $0xFFFFFC00, v23;
	v37 =	vor.u32 v52, v37;
	v60 =	vld.idx.msk [tilespmem:v24+s9+$0x0], $0xffff  }
0x195: {  	v19 =	vshll.u32 v27, $0x3;
	v38 =	vor.u32 v52, v38;
	v17 =	vadd.s32 $0x1F4, v53;
	v53 =	vld.idx.msk [tilespmem:v35+s9+$0x0], $0xffff  }
0x196: {  	v22 =	vadd.s32 v50, v22;
	v19 =	vand.u32 $0xFFFFFC00, v19;
	v0 =	vshll.u32 v32, $0x3;
	v8 =	vld.idx.msk [tilespmem:v33+s9+$0x0], $0xffff  }
0x197: {  	v54 =	vor.u32 v52, v61;
	v61 =	vshll.u32 v16, $0x3;
	v0 =	vand.u32 $0xFFFFFC00, v0;
	[tilespmem:v12+s14+$0x0] =	vst.idx.msk $0xffff, v56;
	v12 =	vld.idx.msk [tilespmem:v34+s9+$0x0], $0xffff  }
0x198: {  	[tilespmem:v62+s14+$0x0] =	vst.idx.msk $0xffff, v29;
	v62 =	vand.u32 $0x7F, v27;
	v59 =	vadd.s32 v50, v0;
	v24 =	vshll.u32 v31, $0x3;
	v55 =	vld.idx.msk [tilespmem:v36+s9+$0x0], $0xffff  }
0x199: {  	v63 =	vshll.u32 v17, $0x3;
	v56 =	vld.idx.msk [tilespmem:v37+s9+$0x0], $0xffff;
	v23 =	vand.u32 $0xFFFFFC00, v24;
	v24 =	vand.u32 $0xFFFFFC00, v61  }
0x19a: {  	v57 =	vld.idx.msk [tilespmem:v38+s9+$0x0], $0xffff;
	v61 =	vand.u32 $0x7F, v30;
	v18 =	vadd.s32 v50, v24;
	v24 =	vand.u32 $0x7F, v32  }
0x19b: {  	[tilespmem:v25+s14+$0x0] =	vst.idx.msk $0xffff, v20;
	v25 =	vand.u32 $0xFFFFFC00, v63;
	v20 =	vadd.s32 v50, v19;
	v19 =	vadd.s32 v50, v23  }
0x19c: {  	s19 =	simm.s32 $0x0;
	s20 =	simm.s32 $0x3C0;
	v54 =	vld.idx.msk [tilespmem:v54+s9+$0x0], $0xffff;
	v23 =	vand.u32 $0x7F, v26;
	v58 =	vadd.s32 v50, v25;
	[tilespmem:v28+s14+$0x0] =	vst.idx.msk $0xffff, v60;
	v60 =	vand.u32 $0x7F, v31  }
.LBB2_10:
0x19d: {  	v0 =	vld [tilespmem:s20+$0x30];
	s19 =	sadd.s32 $0x8, s19;
	v24 =	vor.u32 v24, v59;
	v16 =	vand.u32 $0x7F, v16;
	v17 =	vand.u32 $0x7F, v17  }
0x19e: {  	v21 =	vor.u32 v23, v21;
	v20 =	vor.u32 v62, v20;
	v22 =	vor.u32 v61, v22;
	v25 =	vld [tilespmem:s20+$0xFFFFFFD0];
	p0 =	slt.u32 s19, $0x18  }
0x19f: {  	v19 =	vor.u32 v60, v19;
	v16 =	vor.u32 v16, v18;
	v17 =	vor.u32 v17, v58;
	v23 =	vld [tilespmem:s20+$0xFFFFFFE0]  }
0x1a0: {  	v24 =	vor.u32 v51, v24;
	v21 =	vor.u32 v51, v21;
	v20 =	vor.u32 v51, v20;
	v18 =	vld [tilespmem:s20+$0xFFFFFFF0]  }
0x1a1: {  	v22 =	vor.u32 v51, v22;
	v19 =	vor.u32 v51, v19;
	v16 =	vor.u32 v51, v16;
	v26 =	vld [tilespmem:s20+$0x0]  }
0x1a2: {  	v17 =	vor.u32 v51, v17;
	v27 =	vld [tilespmem:s20+$0x10];
	v28 =	vshll.u32 v0, $0x3  }
0x1a3: {  	v29 =	vand.u32 $0x7F, v25;
	v30 =	vshll.u32 v25, $0x3;
	v31 =	vld [tilespmem:s20+$0x20];
	v28 =	vand.u32 $0xFFFFFC00, v28  }
0x1a4: {  	v34 =	vand.u32 $0x7F, v0;
	v32 =	vld [tilespmem:s20+$0xFFFFFFC0];
	v33 =	vshll.u32 v23, $0x3;
	v28 =	vadd.s32 v49, v28  }
0x1a5: {  	v30 =	vand.u32 $0xFFFFFC00, v30;
	v35 =	vshll.u32 v18, $0x3;
	v28 =	vor.u32 v34, v28;
	[tilespmem:v24+s14+$0x0] =	vst.idx.msk $0xffff, v53  }
0x1a6: {  	v24 =	vand.u32 $0xFFFFFC00, v33;
	v33 =	vshll.u32 v26, $0x3;
	v28 =	vor.u32 v52, v28;
	[tilespmem:v21+s14+$0x0] =	vst.idx.msk $0xffff, v8  }
0x1a7: {  	v0 =	vadd.s32 $0x1F4, v0;
	v8 =	vand.u32 $0xFFFFFC00, v35;
	v21 =	vshll.u32 v27, $0x3;
	[tilespmem:v20+s14+$0x0] =	vst.idx.msk $0xffff, v12  }
0x1a8: {  	v12 =	vand.u32 $0xFFFFFC00, v33;
	v33 =	vshll.u32 v0, $0x3;
	v20 =	vshll.u32 v31, $0x3;
	[tilespmem:v22+s14+$0x0] =	vst.idx.msk $0xffff, v55  }
0x1a9: {  	v21 =	vand.u32 $0xFFFFFC00, v21;
	v33 =	vand.u32 $0xFFFFFC00, v33;
	v22 =	vshll.u32 v32, $0x3;
	[tilespmem:v19+s14+$0x0] =	vst.idx.msk $0xffff, v56  }
0x1aa: {  	v0 =	vand.u32 $0x7F, v0;
	v19 =	vand.u32 $0xFFFFFC00, v22;
	v22 =	vadd.s32 v50, v33;
	[tilespmem:v16+s14+$0x0] =	vst.idx.msk $0xffff, v57  }
0x1ab: {  	v16 =	vadd.s32 v49, v19;
	v19 =	vand.u32 $0xFFFFFC00, v20;
	v20 =	vld.idx.msk [tilespmem:v28+s9+$0x0], $0xffff;
	v0 =	vor.u32 v0, v22  }
0x1ac: {  	v24 =	vadd.s32 v49, v24;
	v22 =	vadd.s32 v49, v30;
	v0 =	vor.u32 v51, v0  }
0x1ad: {  	v8 =	vadd.s32 v49, v8;
	v12 =	vadd.s32 v49, v12;
	v21 =	vadd.s32 v49, v21  }
0x1ae: {  	v28 =	vand.u32 $0x7F, v32;
	v30 =	vand.u32 $0x7F, v23;
	v19 =	vadd.s32 v49, v19;
	[tilespmem:v17+s14+$0x0] =	vst.idx.msk $0xffff, v54  }
0x1af: {  	v34 =	vand.u32 $0x7F, v27;
	v33 =	vand.u32 $0x7F, v26;
	v17 =	vand.u32 $0x7F, v18  }
0x1b0: {  	v16 =	vor.u32 v28, v16;
	v22 =	vor.u32 v29, v22;
	v28 =	vand.u32 $0x7F, v31  }
0x1b1: {  	v29 =	vadd.s32 $0x1F4, v32;
	v24 =	vor.u32 v30, v24;
	v8 =	vor.u32 v17, v8;
	[tilespmem:v0+s14+$0x0] =	vst.idx.msk $0xffff, v20  }
0x1b2: {  	v17 =	vor.u32 v28, v19;
	v0 =	vor.u32 v33, v12;
	v12 =	vor.u32 v34, v21  }
0x1b3: {  	v19 =	vor.u32 v52, v16;
	v20 =	vor.u32 v52, v22;
	v21 =	vor.u32 v52, v24  }
0x1b4: {  	v22 =	vor.u32 v52, v8;
	v0 =	vor.u32 v52, v0;
	v24 =	vor.u32 v52, v12  }
0x1b5: {  	v25 =	vadd.s32 $0x1F4, v25;
	v28 =	vadd.s32 $0x1F4, v23;
	v30 =	vor.u32 v52, v17  }
0x1b6: {  	v26 =	vadd.s32 $0x1F4, v26;
	v32 =	vadd.s32 $0x1F4, v18;
	v16 =	vadd.s32 $0x1F4, v27  }
0x1b7: {  	v17 =	vadd.s32 $0x1F4, v31;
	v8 =	vshll.u32 v29, $0x3;
	v12 =	vshll.u32 v25, $0x3  }
0x1b8: {  	v23 =	vshll.u32 v26, $0x3;
	v18 =	vshll.u32 v28, $0x3;
	v53 =	vld.idx.msk [tilespmem:v19+s9+$0x0], $0xffff;
	v19 =	vshll.u32 v32, $0x3  }
0x1b9: {  	v31 =	vshll.u32 v17, $0x3;
	v27 =	vand.u32 $0xFFFFFC00, v8;
	v8 =	vld.idx.msk [tilespmem:v20+s9+$0x0], $0xffff;
	v20 =	vshll.u32 v16, $0x3  }
0x1ba: {  	v18 =	vand.u32 $0xFFFFFC00, v18;
	v33 =	vand.u32 $0xFFFFFC00, v12;
	v19 =	vand.u32 $0xFFFFFC00, v19;
	v12 =	vld.idx.msk [tilespmem:v21+s9+$0x0], $0xffff  }
.Ltmp4:
0x1bb: {  	v23 =	vand.u32 $0xFFFFFC00, v23;
	v31 =	vand.u32 $0xFFFFFC00, v31;
	v34 =	vand.u32 $0xFFFFFC00, v20;
	v55 =	vld.idx.msk [tilespmem:v22+s9+$0x0], $0xffff;
	(pc) =	sbr.rel @p0 .LBB2_10-.Ltmp4, $4  }
0x1bc: {  	v59 =	vadd.s32 v50, v27;
	v21 =	vadd.s32 v50, v33;
	v20 =	vadd.s32 v50, v18;
	v56 =	vld.idx.msk [tilespmem:v0+s9+$0x0], $0xffff  }
0x1bd: {  	v22 =	vadd.s32 v50, v19;
	v19 =	vadd.s32 v50, v23;
	v18 =	vadd.s32 v50, v34;
	v57 =	vld.idx.msk [tilespmem:v24+s9+$0x0], $0xffff  }
0x1be: {  	v58 =	vadd.s32 v50, v31;
	v23 =	vand.u32 $0x7F, v25;
	v24 =	vand.u32 $0x7F, v29;
	v54 =	vld.idx.msk [tilespmem:v30+s9+$0x0], $0xffff  }
0x1bf: {  	s20 =	sadd.s32 $0x80, s20;
	v60 =	vand.u32 $0x7F, v26;
	v61 =	vand.u32 $0x7F, v32;
	v62 =	vand.u32 $0x7F, v28  }
0x1c0: {  	v0 =	vor.u32 v24, v59  }
0x1c1: {  	v21 =	vor.u32 v23, v21;
	v0 =	vor.u32 v51, v0  }
0x1c2: {  	v20 =	vor.u32 v62, v20;
	v21 =	vor.u32 v51, v21  }
0x1c3: {  	v22 =	vor.u32 v61, v22;
	v20 =	vor.u32 v51, v20  }
0x1c4: {  	v16 =	vand.u32 $0x7F, v16;
	v19 =	vor.u32 v60, v19;
	v22 =	vor.u32 v51, v22  }
0x1c5: {  	v17 =	vand.u32 $0x7F, v17;
	v16 =	vor.u32 v16, v18;
	v63 =	vor.u32 v51, v19  }
0x1c6: {  	v17 =	vor.u32 v17, v58;
	v16 =	vor.u32 v51, v16;
	[tilespmem:v0+s14+$0x0] =	vst.idx.msk $0xffff, v53  }
0x1c7: {  	p0 =	slt.u32 s18, $0x1C;
	v0 =	vor.u32 v51, v17;
	[tilespmem:v21+s14+$0x0] =	vst.idx.msk $0xffff, v8  }
.Ltmp5:
0x1c8: {  	[tilespmem:v20+s14+$0x0] =	vst.idx.msk $0xffff, v12;
	(pc) =	sbr.rel @p0 .LBB2_3-.Ltmp5, $4  }
0x1c9: {  	[tilespmem:v22+s14+$0x0] =	vst.idx.msk $0xffff, v55  }
0x1ca: {  	[tilespmem:v63+s14+$0x0] =	vst.idx.msk $0xffff, v56  }
0x1cb: {  	s19 =	sadd.s32 $0x4, s18;
	[tilespmem:v16+s14+$0x0] =	vst.idx.msk $0xffff, v57  }
0x1cc: {  	s18 =	smov.u32 s19;
	[tilespmem:v0+s14+$0x0] =	vst.idx.msk $0xffff, v54  }
0x1cd: {  	s18 =	simm.s32 $0x0  }
0x1ce: {  	[hbm4b:s6+s18] =	stream.linear.scatter [tilespmem:s14], [sflag:$0x2], $0x4000, $0x38;
	[tilespmem:$0x10500] =	vst v63  }
.LBB2_13:
0x1cf: {  	s20 =	simm.s32 $0x340  }
0x1d0: {  	s19 =	sor.u32 $0x20, s18;
	v8 =	vld [tilespmem:s20+$0x10]  }
0x1d1: {  	v0 =	vmov s19;
	v12 =	vld [tilespmem:s20+$0xFFFFFFF0]  }
0x1d2: {  	v16 =	vld [tilespmem:s20+$0x0];
	v0 =	vand.u32 $0xFFFFFFFC, v0  }
0x1d3: {  	v18 =	vld [tilespmem:s20+$0x20];
	v0 =	vbroadcast v0, $0x0  }
0x1d4: {  	s19 =	sshrl.u32 s19, $0x1;
	v24 =	vld [tilespmem:s20+$0xFFFFFFE0]  }
0x1d5: {  	s31 =	simm.s32 $0x3C0;
	v31 =	vld [tilespmem:s20+$0xFFFFFFC0];
	v19 =	vmov s19  }
0x1d6: {  	v33 =	vld [tilespmem:s31+$0x10];
	v20 =	vshll.u32 v19, $0xA  }
0x1d7: {  	v36 =	vld [tilespmem:s31+$0x20];
	v19 =	vshll.u32 v19, $0x7;
	v52 =	vand.u32 $0x6000, v20  }
0x1d8: {  	v49 =	vand.u32 $0x300, v19;
	v19 =	vand.u32 $0x7F, v8;
	v20 =	vand.u32 $0x7F, v12  }
0x1d9: {  	v21 =	vshll.u32 v16, $0x3;
	v22 =	vand.u32 $0x7F, v18;
	v18 =	vshll.u32 v18, $0x3;
	v0 =	vld.idx.msk [tilespmem:v0+s13+$0x0], $0xffff  }
0x1da: {  	v12 =	vshll.u32 v12, $0x3;
	v8 =	vshll.u32 v8, $0x3;
	v16 =	vand.u32 $0x7F, v16  }
0x1db: {  	v29 =	vand.u32 $0x7F, v24;
	v24 =	vshll.u32 v24, $0x3;
	v34 =	vshll.u32 v31, $0x3  }
0x1dc: {  	v31 =	vand.u32 $0x7F, v31;
	v54 =	vand.u32 $0x7F, v33;
	v55 =	vand.u32 $0x7F, v36  }
0x1dd: {  	v33 =	vshll.u32 v33, $0x3;
	v21 =	vand.u32 $0xFFFFFC00, v21;
	v12 =	vand.u32 $0xFFFFFC00, v12  }
0x1de: {  	v18 =	vand.u32 $0xFFFFFC00, v18;
	v8 =	vand.u32 $0xFFFFFC00, v8;
	v17 =	vshll.u32 v0, $0x9  }
0x1df: {  	v24 =	vand.u32 $0xFFFFFC00, v24;
	v0 =	vshll.u32 v0, $0x7;
	v53 =	vand.u32 $0xFFFFF000, v17  }
0x1e0: {  	v34 =	vand.u32 $0xFFFFFC00, v34;
	v51 =	vand.u32 $0x380, v0;
	v25 =	vadd.s32 v53, v12  }
0x1e1: {  	v27 =	vadd.s32 v53, v21;
	v21 =	vadd.s32 v52, v21;
	v30 =	vadd.s32 v53, v8  }
0x1e2: {  	v12 =	vadd.s32 v52, v12;
	v32 =	vadd.s32 v53, v24;
	v24 =	vadd.s32 v52, v24  }
0x1e3: {  	v35 =	vadd.s32 v53, v34;
	v34 =	vadd.s32 v52, v34;
	v8 =	vadd.s32 v52, v8  }
0x1e4: {  	v25 =	vor.u32 v20, v25;
	v27 =	vor.u32 v16, v27;
	v12 =	vor.u32 v20, v12  }
0x1e5: {  	v30 =	vor.u32 v19, v30;
	v16 =	vor.u32 v16, v21;
	v21 =	vadd.s32 v52, v18  }
0x1e6: {  	v17 =	vld [tilespmem:s20+$0x30];
	v18 =	vadd.s32 v53, v18;
	v32 =	vor.u32 v29, v32;
	v24 =	vor.u32 v29, v24  }
0x1e7: {  	v0 =	vld [tilespmem:s20+$0xFFFFFFD0];
	v35 =	vor.u32 v31, v35;
	v31 =	vor.u32 v31, v34;
	v8 =	vor.u32 v19, v8  }
0x1e8: {  	v25 =	vor.u32 v51, v25;
	v27 =	vor.u32 v51, v27;
	v12 =	vor.u32 v49, v12  }
0x1e9: {  	v16 =	vor.u32 v49, v16;
	v18 =	vor.u32 v22, v18;
	v24 =	vor.u32 v49, v24  }
0x1ea: {  	v63 =	vor.u32 v51, v35;
	v31 =	vor.u32 v49, v31;
	v19 =	vor.u32 v22, v21  }
0x1eb: {  	v22 =	vshll.u32 v36, $0x3;
	v30 =	vor.u32 v51, v30;
	v18 =	vor.u32 v51, v18  }
0x1ec: {  	v29 =	vld [tilespmem:s31+$0x0];
	v19 =	vor.u32 v49, v19;
	v23 =	vshll.u32 v17, $0x3;
	v26 =	vshll.u32 v0, $0x3  }
0x1ed: {  	v62 =	vld [tilespmem:s31+$0xFFFFFFF0];
	v0 =	vand.u32 $0x7F, v0;
	v17 =	vand.u32 $0x7F, v17;
	v26 =	vand.u32 $0xFFFFFC00, v26  }
0x1ee: {  	v35 =	vld [tilespmem:s31+$0x30];
	v23 =	vand.u32 $0xFFFFFC00, v23;
	v61 =	vadd.s32 v53, v26;
	v26 =	vadd.s32 v52, v26  }
0x1ef: {  	v21 =	vld [tilespmem:s31+$0xFFFFFFE0];
	v28 =	vadd.s32 v53, v23;
	v23 =	vadd.s32 v52, v23;
	v26 =	vor.u32 v0, v26  }
0x1f0: {  	v20 =	vor.u32 v17, v28;
	v25 =	vld.idx.msk [tilespmem:v25+s9+$0x0], $0xffff;
	v50 =	vor.u32 v49, v26;
	v26 =	vor.u32 v51, v32  }
0x1f1: {  	v37 =	vshll.u32 v29, $0x3;
	v0 =	vor.u32 v0, v61;
	v28 =	vld [tilespmem:s31+$0xFFFFFFD0];
	v20 =	vor.u32 v51, v20  }
0x1f2: {  	v17 =	vor.u32 v17, v23;
	v23 =	vld.idx.msk [tilespmem:v27+s9+$0x0], $0xffff;
	v27 =	vand.u32 $0x7F, v62;
	v36 =	vand.u32 $0xFFFFFC00, v37  }
0x1f3: {  	v37 =	vor.u32 v49, v8;
	v38 =	vshll.u32 v35, $0x3;
	v34 =	vld.idx.msk [tilespmem:v63+s9+$0x0], $0xffff;
	v0 =	vor.u32 v51, v0  }
0x1f4: {  	v63 =	vand.u32 $0x7F, v35;
	v17 =	vor.u32 v49, v17;
	v32 =	vshll.u32 v62, $0x3;
	v57 =	vld.idx.msk [tilespmem:v18+s9+$0x0], $0xffff  }
0x1f5: {  	v62 =	vand.u32 $0xFFFFFC00, v22;
	v22 =	vadd.s32 v53, v36;
	v32 =	vand.u32 $0xFFFFFC00, v32;
	v26 =	vld.idx.msk [tilespmem:v26+s9+$0x0], $0xffff  }
0x1f6: {  	v59 =	vshll.u32 v28, $0x3;
	[tilespmem:v12+s14+$0x0] =	vst.idx.msk $0xffff, v25;
	v61 =	vand.u32 $0x7F, v28;
	v8 =	vld.idx.msk [tilespmem:v20+s9+$0x0], $0xffff;
	v20 =	vadd.s32 v53, v32  }
0x1f7: {  	[tilespmem:v16+s14+$0x0] =	vst.idx.msk $0xffff, v23;
	v23 =	vld.idx.msk [tilespmem:v30+s9+$0x0], $0xffff;
	v12 =	vand.u32 $0xFFFFFC00, v33;
	v18 =	vor.u32 v27, v20;
	v20 =	vand.u32 $0x7F, v29  }
0x1f8: {  	[tilespmem:v31+s14+$0x0] =	vst.idx.msk $0xffff, v34;
	v56 =	vld.idx.msk [tilespmem:v0+s9+$0x0], $0xffff;
	v0 =	vor.u32 v51, v18;
	v16 =	vor.u32 v20, v22  }
0x1f9: {  	v25 =	vand.u32 $0xFFFFFC00, v38;
	[tilespmem:v19+s14+$0x0] =	vst.idx.msk $0xffff, v57;
	v22 =	vadd.s32 v52, v36;
	v58 =	vor.u32 v51, v16  }
0x1fa: {  	v18 =	vand.u32 $0x7F, v21;
	v16 =	vadd.s32 v52, v25;
	[tilespmem:v24+s14+$0x0] =	vst.idx.msk $0xffff, v26;
	v24 =	vadd.s32 v53, v25  }
0x1fb: {  	v26 =	vadd.s32 v53, v12;
	[tilespmem:v17+s14+$0x0] =	vst.idx.msk $0xffff, v8;
	v8 =	vshll.u32 v21, $0x3;
	v17 =	vadd.s32 v52, v32  }
0x1fc: {  	[tilespmem:v37+s14+$0x0] =	vst.idx.msk $0xffff, v23;
	v21 =	vand.u32 $0xFFFFFC00, v8;
	v17 =	vor.u32 v27, v17;
	v19 =	vor.u32 v63, v24;
	v8 =	vld [tilespmem:s31+$0xFFFFFFC0]  }
0x1fd: {  	v24 =	vand.u32 $0xFFFFFC00, v59;
	v60 =	vor.u32 v49, v17;
	v57 =	vor.u32 v51, v19;
	v59 =	vld.idx.msk [tilespmem:v0+s9+$0x0], $0xffff  }
0x1fe: {  	s19 =	simm.s32 $0x8;
	s20 =	simm.s32 $0x440;
	v19 =	vadd.s32 v53, v24;
	v23 =	vadd.s32 v53, v21;
	v17 =	vor.u32 v54, v26  }
.LBB2_14:
0x1ff: {  	s19 =	sadd.s32 $0x8, s19;
	v0 =	vadd.s32 v52, v24;
	v24 =	vld.idx.msk [tilespmem:v58+s9+$0x0], $0xffff;
	v20 =	vor.u32 v20, v22;
	v22 =	vadd.s32 v52, v62  }
0x200: {  	v26 =	vadd.s32 v53, v62;
	v25 =	vld [tilespmem:s20+$0x10];
	p0 =	slt.u32 s19, $0x18;
	v0 =	vor.u32 v61, v0;
	v20 =	vor.u32 v49, v20  }
0x201: {  	v27 =	vshll.u32 v8, $0x3;
	v23 =	vor.u32 v18, v23;
	v21 =	vadd.s32 v52, v21;
	[tilespmem:v50+s14+$0x0] =	vst.idx.msk $0xffff, v56  }
0x202: {  	v27 =	vand.u32 $0xFFFFFC00, v27;
	v50 =	vor.u32 v49, v0;
	v0 =	vor.u32 v51, v23;
	v28 =	vld [tilespmem:s20+$0x30];
	[tilespmem:v60+s14+$0x0] =	vst.idx.msk $0xffff, v59  }
0x203: {  	v8 =	vand.u32 $0x7F, v8;
	v18 =	vor.u32 v18, v21;
	v21 =	vor.u32 v55, v26;
	v23 =	vld [tilespmem:s20+$0xFFFFFFF0]  }
0x204: {  	v29 =	vadd.s32 v53, v27;
	v27 =	vadd.s32 v52, v27;
	v18 =	vor.u32 v49, v18;
	v26 =	vld [tilespmem:s20+$0x0]  }
0x205: {  	v29 =	vor.u32 v8, v29;
	v27 =	vor.u32 v8, v27;
	v30 =	vand.u32 $0x7F, v25;
	v31 =	vld [tilespmem:s20+$0x20];
	[tilespmem:v20+s14+$0x0] =	vst.idx.msk $0xffff, v24  }
0x206: {  	v12 =	vadd.s32 v52, v12;
	v21 =	vor.u32 v51, v21;
	v24 =	vor.u32 v51, v29;
	v20 =	vld [tilespmem:s20+$0xFFFFFFD0]  }
0x207: {  	v19 =	vor.u32 v61, v19;
	v16 =	vor.u32 v63, v16;
	v27 =	vor.u32 v49, v27;
	v8 =	vld [tilespmem:s20+$0xFFFFFFC0]  }
0x208: {  	v19 =	vor.u32 v51, v19;
	v16 =	vor.u32 v49, v16;
	v29 =	vld [tilespmem:s20+$0xFFFFFFE0];
	v32 =	vand.u32 $0x7F, v23  }
0x209: {  	v12 =	vor.u32 v54, v12;
	v22 =	vor.u32 v55, v22;
	v54 =	vmovc v30;
	v33 =	vshll.u32 v26, $0x3;
	v0 =	vld.idx.msk [tilespmem:v0+s9+$0x0], $0xffff  }
0x20a: {  	v17 =	vor.u32 v51, v17;
	v55 =	vand.u32 $0x7F, v31;
	v30 =	vshll.u32 v31, $0x3;
	v31 =	vld.idx.msk [tilespmem:v57+s9+$0x0], $0xffff  }
0x20b: {  	v34 =	vor.u32 v49, v12;
	v23 =	vshll.u32 v23, $0x3;
	v33 =	vand.u32 $0xFFFFFC00, v33;
	v24 =	vld.idx.msk [tilespmem:v24+s9+$0x0], $0xffff  }
0x20c: {  	v36 =	vor.u32 v49, v22;
	v35 =	vshll.u32 v28, $0x3;
	v23 =	vand.u32 $0xFFFFFC00, v23;
	v21 =	vld.idx.msk [tilespmem:v21+s9+$0x0], $0xffff  }
0x20d: {  	v22 =	vshll.u32 v25, $0x3;
	v12 =	vadd.s32 v53, v23;
	v62 =	vand.u32 $0xFFFFFC00, v30;
	v56 =	vld.idx.msk [tilespmem:v19+s9+$0x0], $0xffff  }
0x20e: {  	v12 =	vor.u32 v32, v12;
	v25 =	vadd.s32 v53, v33;
	v19 =	vshll.u32 v20, $0x3  }
0x20f: {  	v61 =	vand.u32 $0x7F, v20;
	v30 =	vor.u32 v51, v12;
	v20 =	vand.u32 $0x7F, v26;
	v17 =	vld.idx.msk [tilespmem:v17+s9+$0x0], $0xffff  }
0x210: {  	v12 =	vand.u32 $0xFFFFFC00, v22;
	v26 =	vand.u32 $0xFFFFFC00, v35;
	v25 =	vor.u32 v20, v25;
	[tilespmem:v18+s14+$0x0] =	vst.idx.msk $0xffff, v0  }
0x211: {  	v63 =	vand.u32 $0x7F, v28;
	v58 =	vor.u32 v51, v25;
	v0 =	vadd.s32 v53, v26;
	[tilespmem:v27+s14+$0x0] =	vst.idx.msk $0xffff, v24  }
.Ltmp6:
0x212: {  	v22 =	vadd.s32 v52, v33;
	v25 =	vadd.s32 v53, v12;
	v18 =	vand.u32 $0x7F, v29;
	[tilespmem:v16+s14+$0x0] =	vst.idx.msk $0xffff, v31;
	(pc) =	sbr.rel @p0 .LBB2_14-.Ltmp6, $4  }
0x213: {  	v23 =	vadd.s32 v52, v23;
	v24 =	vshll.u32 v29, $0x3;
	v16 =	vadd.s32 v52, v26;
	[tilespmem:v36+s14+$0x0] =	vst.idx.msk $0xffff, v21  }
0x214: {  	v23 =	vor.u32 v32, v23;
	v0 =	vor.u32 v63, v0;
	v21 =	vand.u32 $0xFFFFFC00, v24;
	v59 =	vld.idx.msk [tilespmem:v30+s9+$0x0], $0xffff  }
0x215: {  	v60 =	vor.u32 v49, v23;
	v57 =	vor.u32 v51, v0;
	v24 =	vand.u32 $0xFFFFFC00, v19;
	[tilespmem:v34+s14+$0x0] =	vst.idx.msk $0xffff, v17  }
0x216: {  	s20 =	sadd.s32 $0x80, s20;
	v19 =	vadd.s32 v53, v24;
	v23 =	vadd.s32 v53, v21;
	v17 =	vor.u32 v54, v25  }
0x217: {  	v24 =	vadd.s32 v52, v24  }
0x218: {  	v20 =	vor.u32 v20, v22;
	v22 =	vadd.s32 v52, v62;
	v25 =	vadd.s32 v53, v62  }
0x219: {  	v26 =	vshll.u32 v8, $0x3;
	v23 =	vor.u32 v18, v23;
	v21 =	vadd.s32 v52, v21  }
0x21a: {  	s19 =	sor.u32 $0x21, s18;
	v8 =	vand.u32 $0x7F, v8;
	v12 =	vadd.s32 v52, v12;
	v19 =	vor.u32 v61, v19  }
0x21b: {  	v16 =	vor.u32 v63, v16;
	v17 =	vor.u32 v51, v17;
	v0 =	vmov s19  }
0x21c: {  	v24 =	vor.u32 v61, v24;
	v20 =	vor.u32 v49, v20;
	v26 =	vand.u32 $0xFFFFFC00, v26  }
0x21d: {  	v23 =	vor.u32 v51, v23;
	v18 =	vor.u32 v18, v21;
	v21 =	vor.u32 v55, v25  }
0x21e: {  	s20 =	simm.s32 $0x340;
	v19 =	vor.u32 v51, v19;
	v16 =	vor.u32 v49, v16;
	v12 =	vor.u32 v54, v12  }
0x21f: {  	v63 =	vld [tilespmem:s20+$0x30];
	v22 =	vor.u32 v55, v22;
	v0 =	vand.u32 $0xFFFFFFFD, v0;
	v62 =	vor.u32 v49, v24  }
0x220: {  	v27 =	vld [tilespmem:s20+$0xFFFFFFE0];
	v38 =	vadd.s32 v53, v26;
	v53 =	vadd.s32 v52, v26;
	v0 =	vbroadcast v0, $0x0  }
0x221: {  	s19 =	sshrl.u32 s19, $0x1;
	v30 =	vld [tilespmem:s20+$0xFFFFFFF0];
	v18 =	vor.u32 v49, v18;
	v21 =	vor.u32 v51, v21;
	v28 =	vor.u32 v49, v12  }
0x222: {  	v35 =	vld [tilespmem:s20+$0xFFFFFFC0];
	v12 =	vmov s19;
	v22 =	vor.u32 v49, v22;
	v24 =	vor.u32 v8, v38  }
0x223: {  	v8 =	vor.u32 v8, v53;
	v61 =	vshll.u32 v12, $0xA;
	v12 =	vshll.u32 v12, $0x7  }
0x224: {  	v53 =	vld [tilespmem:s20+$0x20];
	v24 =	vor.u32 v51, v24;
	v26 =	vor.u32 v49, v8;
	v51 =	vand.u32 $0x6000, v61  }
0x225: {  	[tilespmem:v50+s14+$0x0] =	vst.idx.msk $0xffff, v56;
	v8 =	vld [tilespmem:s20+$0xFFFFFFD0];
	v50 =	vand.u32 $0x300, v12;
	v32 =	vshll.u32 v63, $0x3;
	v36 =	vshll.u32 v27, $0x3  }
0x226: {  	v37 =	vand.u32 $0x7F, v63;
	v38 =	vshll.u32 v30, $0x3;
	v25 =	vadd.s32 $0x1F4, v63;
	v0 =	vld.idx.msk [tilespmem:v0+s13+$0x0], $0xffff  }
0x227: {  	v61 =	vshll.u32 v35, $0x3;
	v32 =	vand.u32 $0xFFFFFC00, v32;
	v36 =	vand.u32 $0xFFFFFC00, v36  }
0x228: {  	v38 =	vand.u32 $0xFFFFFC00, v38;
	v63 =	vshll.u32 v25, $0x3;
	v55 =	vand.u32 $0xFFFFFC00, v61  }
0x229: {  	v25 =	vand.u32 $0x7F, v25;
	v52 =	vand.u32 $0xFFFFFC00, v63;
	v63 =	vand.u32 $0x7F, v35  }
0x22a: {  	v61 =	vshll.u32 v53, $0x3;
	v33 =	vand.u32 $0x7F, v8;
	v34 =	vshll.u32 v8, $0x3  }
0x22b: {  	v31 =	vld [tilespmem:s20+$0x0];
	v52 =	vadd.s32 v51, v52;
	v34 =	vand.u32 $0xFFFFFC00, v34;
	v29 =	vshll.u32 v0, $0x9  }
0x22c: {  	v25 =	vor.u32 v25, v52;
	v52 =	vand.u32 $0xFFFFFC00, v61;
	v49 =	vand.u32 $0xFFFFF000, v29  }
0x22d: {  	v61 =	vand.u32 $0x7F, v30;
	v0 =	vshll.u32 v0, $0x7;
	v29 =	vld [tilespmem:s20+$0x10];
	v32 =	vadd.s32 v49, v32  }
0x22e: {  	v55 =	vadd.s32 v49, v55;
	v34 =	vadd.s32 v49, v34;
	v36 =	vadd.s32 v49, v36  }
0x22f: {  	v38 =	vadd.s32 v49, v38;
	v52 =	vadd.s32 v49, v52;
	v32 =	vor.u32 v37, v32  }
0x230: {  	v37 =	vshll.u32 v31, $0x3;
	v55 =	vor.u32 v63, v55;
	v63 =	vand.u32 $0x7F, v27  }
0x231: {  	v33 =	vor.u32 v33, v34;
	v37 =	vand.u32 $0xFFFFFC00, v37;
	v34 =	vor.u32 v63, v36  }
0x232: {  	v56 =	vld.idx.msk [tilespmem:v58+s9+$0x0], $0xffff;
	v63 =	vand.u32 $0x7F, v31;
	v37 =	vadd.s32 v49, v37;
	v54 =	vshll.u32 v29, $0x3  }
0x233: {  	v36 =	vor.u32 v61, v38;
	v37 =	vor.u32 v63, v37;
	v54 =	vand.u32 $0xFFFFFC00, v54  }
0x234: {  	v61 =	vand.u32 $0x7F, v29;
	v63 =	vand.u32 $0x7F, v53;
	v54 =	vadd.s32 v49, v54  }
0x235: {  	v24 =	vld.idx.msk [tilespmem:v24+s9+$0x0], $0xffff;
	v38 =	vor.u32 v61, v54;
	v54 =	vor.u32 v63, v52;
	v52 =	vand.u32 $0x380, v0  }
0x236: {  	v12 =	vadd.s32 $0x1F4, v53;
	v30 =	vadd.s32 $0x1F4, v30;
	v0 =	vld.idx.msk [tilespmem:v23+s9+$0x0], $0xffff;
	v23 =	vor.u32 v52, v32  }
0x237: {  	[tilespmem:v20+s14+$0x0] =	vst.idx.msk $0xffff, v56;
	v21 =	vld.idx.msk [tilespmem:v21+s9+$0x0], $0xffff;
	v20 =	vshll.u32 v30, $0x3;
	v32 =	vadd.s32 $0x1F4, v35;
	v35 =	vor.u32 v52, v55  }
0x238: {  	v58 =	vld.idx.msk [tilespmem:v57+s9+$0x0], $0xffff;
	v25 =	vor.u32 v50, v25;
	v20 =	vand.u32 $0xFFFFFC00, v20;
	v33 =	vor.u32 v52, v33  }
0x239: {  	v17 =	vld.idx.msk [tilespmem:v17+s9+$0x0], $0xffff;
	v20 =	vadd.s32 v51, v20;
	v31 =	vadd.s32 $0x1F4, v31;
	v34 =	vor.u32 v52, v34  }
0x23a: {  	[tilespmem:v60+s14+$0x0] =	vst.idx.msk $0xffff, v59;
	v61 =	vadd.s32 $0x1F4, v8;
	v8 =	vadd.s32 $0x1F4, v29;
	v29 =	vld.idx.msk [tilespmem:v19+s9+$0x0], $0xffff;
	v36 =	vor.u32 v52, v36  }
0x23b: {  	[tilespmem:v26+s14+$0x0] =	vst.idx.msk $0xffff, v24;
	v27 =	vadd.s32 $0x1F4, v27;
	v24 =	vshll.u32 v31, $0x3;
	v37 =	vor.u32 v52, v37;
	v23 =	vld.idx.msk [tilespmem:v23+s9+$0x0], $0xffff  }
0x23c: {  	[tilespmem:v22+s14+$0x0] =	vst.idx.msk $0xffff, v21;
	v53 =	vshll.u32 v12, $0x3;
	v22 =	vand.u32 $0xFFFFFC00, v24;
	v38 =	vor.u32 v52, v38;
	v55 =	vld.idx.msk [tilespmem:v35+s9+$0x0], $0xffff  }
0x23d: {  	[tilespmem:v16+s14+$0x0] =	vst.idx.msk $0xffff, v58;
	v19 =	vshll.u32 v27, $0x3;
	v54 =	vor.u32 v52, v54;
	v16 =	vshll.u32 v8, $0x3;
	v60 =	vld.idx.msk [tilespmem:v33+s9+$0x0], $0xffff  }
0x23e: {  	[tilespmem:v28+s14+$0x0] =	vst.idx.msk $0xffff, v17;
	v26 =	vand.u32 $0xFFFFFC00, v53;
	v19 =	vand.u32 $0xFFFFFC00, v19;
	v63 =	vand.u32 $0xFFFFFC00, v16;
	v58 =	vld.idx.msk [tilespmem:v34+s9+$0x0], $0xffff  }
0x23f: {  	v53 =	vand.u32 $0x7F, v61;
	v16 =	vadd.s32 v51, v19;
	v19 =	vadd.s32 v51, v63;
	v56 =	vld.idx.msk [tilespmem:v36+s9+$0x0], $0xffff  }
0x240: {  	v63 =	vand.u32 $0x7F, v32;
	[tilespmem:v18+s14+$0x0] =	vst.idx.msk $0xffff, v0;
	v0 =	vshll.u32 v32, $0x3;
	v18 =	vshll.u32 v61, $0x3;
	v59 =	vld.idx.msk [tilespmem:v37+s9+$0x0], $0xffff  }
0x241: {  	[tilespmem:v62+s14+$0x0] =	vst.idx.msk $0xffff, v29;
	v61 =	vand.u32 $0x7F, v27;
	v0 =	vand.u32 $0xFFFFFC00, v0;
	v18 =	vand.u32 $0xFFFFFC00, v18;
	v57 =	vld.idx.msk [tilespmem:v38+s9+$0x0], $0xffff  }
0x242: {  	v62 =	vand.u32 $0x7F, v30;
	v54 =	vld.idx.msk [tilespmem:v54+s9+$0x0], $0xffff;
	v21 =	vadd.s32 v51, v0;
	v17 =	vadd.s32 v51, v18  }
0x243: {  	s19 =	simm.s32 $0x0;
	s20 =	simm.s32 $0x3C0;
	v18 =	vadd.s32 v51, v22;
	v22 =	vadd.s32 v51, v26;
	[tilespmem:v25+s14+$0x0] =	vst.idx.msk $0xffff, v23;
	v23 =	vand.u32 $0x7F, v31  }
.LBB2_16:
0x244: {  	v0 =	vld [tilespmem:s20+$0x30];
	s19 =	sadd.s32 $0x8, s19;
	v21 =	vor.u32 v63, v21;
	v8 =	vand.u32 $0x7F, v8;
	v12 =	vand.u32 $0x7F, v12  }
0x245: {  	v17 =	vor.u32 v53, v17;
	v16 =	vor.u32 v61, v16;
	v20 =	vor.u32 v62, v20;
	v24 =	vld [tilespmem:s20+$0xFFFFFFD0];
	p0 =	slt.u32 s19, $0x18  }
0x246: {  	v18 =	vor.u32 v23, v18;
	v8 =	vor.u32 v8, v19;
	v12 =	vor.u32 v12, v22;
	v25 =	vld [tilespmem:s20+$0xFFFFFFE0]  }
0x247: {  	v21 =	vor.u32 v50, v21;
	v17 =	vor.u32 v50, v17;
	v16 =	vor.u32 v50, v16;
	v19 =	vld [tilespmem:s20+$0xFFFFFFF0]  }
0x248: {  	v20 =	vor.u32 v50, v20;
	v18 =	vor.u32 v50, v18;
	v8 =	vor.u32 v50, v8;
	v22 =	vld [tilespmem:s20+$0x0]  }
0x249: {  	v12 =	vor.u32 v50, v12;
	v23 =	vld [tilespmem:s20+$0x10];
	v26 =	vshll.u32 v0, $0x3  }
0x24a: {  	v27 =	vand.u32 $0x7F, v24;
	v28 =	vshll.u32 v24, $0x3;
	v29 =	vld [tilespmem:s20+$0x20];
	v26 =	vand.u32 $0xFFFFFC00, v26  }
0x24b: {  	v32 =	vand.u32 $0x7F, v0;
	v30 =	vld [tilespmem:s20+$0xFFFFFFC0];
	v31 =	vshll.u32 v25, $0x3;
	v26 =	vadd.s32 v49, v26  }
0x24c: {  	v28 =	vand.u32 $0xFFFFFC00, v28;
	v33 =	vshll.u32 v19, $0x3;
	v26 =	vor.u32 v32, v26;
	[tilespmem:v21+s14+$0x0] =	vst.idx.msk $0xffff, v55  }
0x24d: {  	v21 =	vand.u32 $0xFFFFFC00, v31;
	v31 =	vshll.u32 v22, $0x3;
	v26 =	vor.u32 v52, v26;
	[tilespmem:v17+s14+$0x0] =	vst.idx.msk $0xffff, v60  }
0x24e: {  	v0 =	vadd.s32 $0x1F4, v0;
	v17 =	vand.u32 $0xFFFFFC00, v33;
	v32 =	vshll.u32 v23, $0x3;
	[tilespmem:v16+s14+$0x0] =	vst.idx.msk $0xffff, v58  }
0x24f: {  	v33 =	vshll.u32 v0, $0x3;
	v16 =	vand.u32 $0xFFFFFC00, v31;
	v31 =	vshll.u32 v29, $0x3;
	[tilespmem:v20+s14+$0x0] =	vst.idx.msk $0xffff, v56  }
0x250: {  	v33 =	vand.u32 $0xFFFFFC00, v33;
	v32 =	vand.u32 $0xFFFFFC00, v32;
	v20 =	vshll.u32 v30, $0x3;
	[tilespmem:v18+s14+$0x0] =	vst.idx.msk $0xffff, v59  }
0x251: {  	v0 =	vand.u32 $0x7F, v0;
	v18 =	vand.u32 $0xFFFFFC00, v20;
	v20 =	vadd.s32 v51, v33;
	[tilespmem:v8+s14+$0x0] =	vst.idx.msk $0xffff, v57  }
0x252: {  	v8 =	vadd.s32 v49, v18;
	v18 =	vand.u32 $0xFFFFFC00, v31;
	v26 =	vld.idx.msk [tilespmem:v26+s9+$0x0], $0xffff;
	v0 =	vor.u32 v0, v20  }
0x253: {  	v21 =	vadd.s32 v49, v21;
	v20 =	vadd.s32 v49, v28;
	v0 =	vor.u32 v50, v0  }
0x254: {  	v17 =	vadd.s32 v49, v17;
	v16 =	vadd.s32 v49, v16;
	v28 =	vadd.s32 v49, v32  }
0x255: {  	v31 =	vand.u32 $0x7F, v30;
	v32 =	vand.u32 $0x7F, v25;
	v18 =	vadd.s32 v49, v18;
	[tilespmem:v12+s14+$0x0] =	vst.idx.msk $0xffff, v54  }
0x256: {  	v34 =	vand.u32 $0x7F, v23;
	v33 =	vand.u32 $0x7F, v22;
	v12 =	vand.u32 $0x7F, v19  }
0x257: {  	v8 =	vor.u32 v31, v8;
	v20 =	vor.u32 v27, v20;
	v27 =	vand.u32 $0x7F, v29  }
0x258: {  	v30 =	vadd.s32 $0x1F4, v30;
	v21 =	vor.u32 v32, v21;
	v12 =	vor.u32 v12, v17;
	[tilespmem:v0+s14+$0x0] =	vst.idx.msk $0xffff, v26  }
0x259: {  	v17 =	vor.u32 v27, v18;
	v0 =	vor.u32 v33, v16;
	v16 =	vor.u32 v34, v28  }
0x25a: {  	v20 =	vor.u32 v52, v20;
	v21 =	vor.u32 v52, v21;
	v18 =	vor.u32 v52, v8  }
0x25b: {  	v26 =	vor.u32 v52, v12;
	v0 =	vor.u32 v52, v0;
	v27 =	vor.u32 v52, v16  }
0x25c: {  	v24 =	vadd.s32 $0x1F4, v24;
	v25 =	vadd.s32 $0x1F4, v25;
	v28 =	vor.u32 v52, v17  }
0x25d: {  	v31 =	vadd.s32 $0x1F4, v19;
	v32 =	vadd.s32 $0x1F4, v22;
	v8 =	vadd.s32 $0x1F4, v23  }
0x25e: {  	v17 =	vshll.u32 v24, $0x3;
	v12 =	vadd.s32 $0x1F4, v29;
	v16 =	vshll.u32 v30, $0x3  }
0x25f: {  	v22 =	vshll.u32 v32, $0x3;
	v19 =	vshll.u32 v31, $0x3;
	v55 =	vld.idx.msk [tilespmem:v18+s9+$0x0], $0xffff;
	v18 =	vshll.u32 v25, $0x3  }
0x260: {  	v23 =	vshll.u32 v12, $0x3;
	v16 =	vand.u32 $0xFFFFFC00, v16;
	v60 =	vld.idx.msk [tilespmem:v20+s9+$0x0], $0xffff;
	v20 =	vshll.u32 v8, $0x3  }
0x261: {  	v19 =	vand.u32 $0xFFFFFC00, v19;
	v17 =	vand.u32 $0xFFFFFC00, v17;
	v18 =	vand.u32 $0xFFFFFC00, v18;
	v58 =	vld.idx.msk [tilespmem:v21+s9+$0x0], $0xffff  }
.Ltmp7:
0x262: {  	v22 =	vand.u32 $0xFFFFFC00, v22;
	v23 =	vand.u32 $0xFFFFFC00, v23;
	v56 =	vld.idx.msk [tilespmem:v26+s9+$0x0], $0xffff;
	v26 =	vand.u32 $0xFFFFFC00, v20;
	(pc) =	sbr.rel @p0 .LBB2_16-.Ltmp7, $4  }
0x263: {  	v17 =	vadd.s32 v51, v17;
	v21 =	vadd.s32 v51, v16;
	v16 =	vadd.s32 v51, v18;
	v59 =	vld.idx.msk [tilespmem:v0+s9+$0x0], $0xffff  }
0x264: {  	v18 =	vadd.s32 v51, v22;
	v20 =	vadd.s32 v51, v19;
	v19 =	vadd.s32 v51, v26;
	v57 =	vld.idx.msk [tilespmem:v27+s9+$0x0], $0xffff  }
0x265: {  	v53 =	vand.u32 $0x7F, v24;
	v63 =	vand.u32 $0x7F, v30;
	v22 =	vadd.s32 v51, v23;
	v54 =	vld.idx.msk [tilespmem:v28+s9+$0x0], $0xffff  }
0x266: {  	s20 =	sadd.s32 $0x80, s20;
	v61 =	vand.u32 $0x7F, v25;
	v62 =	vand.u32 $0x7F, v31;
	v23 =	vand.u32 $0x7F, v32  }
0x267: {  	s19 =	sor.u32 $0x22, s18  }
0x268: {  	v21 =	vor.u32 v63, v21;
	v8 =	vand.u32 $0x7F, v8;
	s20 =	simm.s32 $0x340;
	v0 =	vmov s19  }
0x269: {  	v12 =	vand.u32 $0x7F, v12;
	v18 =	vor.u32 v23, v18;
	v23 =	vld [tilespmem:s20+$0x10];
	v0 =	vand.u32 $0xFFFFFFFE, v0  }
0x26a: {  	v8 =	vor.u32 v8, v19;
	v19 =	vor.u32 v50, v21;
	v21 =	vld [tilespmem:s20+$0xFFFFFFF0];
	v0 =	vbroadcast v0, $0x0  }
0x26b: {  	v17 =	vor.u32 v53, v17;
	v12 =	vor.u32 v12, v22;
	v22 =	vld [tilespmem:s20+$0x0]  }
0x26c: {  	v16 =	vor.u32 v61, v16;
	v20 =	vor.u32 v62, v20;
	v17 =	vor.u32 v50, v17;
	s19 =	sshrl.u32 s19, $0x1;
	v25 =	vld [tilespmem:s20+$0x20]  }
0x26d: {  	v16 =	vor.u32 v50, v16;
	v20 =	vor.u32 v50, v20;
	v31 =	vld [tilespmem:s20+$0xFFFFFFE0];
	v26 =	vmov s19  }
0x26e: {  	v18 =	vor.u32 v50, v18;
	v38 =	vld [tilespmem:s20+$0xFFFFFFC0];
	v8 =	vor.u32 v50, v8;
	v27 =	vshll.u32 v26, $0xA  }
0x26f: {  	v12 =	vor.u32 v50, v12;
	v26 =	vshll.u32 v26, $0x7;
	v52 =	vand.u32 $0x6000, v27  }
0x270: {  	v49 =	vand.u32 $0x380, v26;
	v26 =	vand.u32 $0x7F, v23;
	v27 =	vand.u32 $0x7F, v21;
	v0 =	vld.idx.msk [tilespmem:v0+s13+$0x0], $0xffff  }
0x271: {  	v28 =	vshll.u32 v22, $0x3;
	v29 =	vand.u32 $0x7F, v25;
	v25 =	vshll.u32 v25, $0x3  }
0x272: {  	v21 =	vshll.u32 v21, $0x3;
	v23 =	vshll.u32 v23, $0x3;
	v22 =	vand.u32 $0x7F, v22  }
0x273: {  	v36 =	vand.u32 $0x7F, v31;
	v31 =	vshll.u32 v31, $0x3;
	v62 =	vshll.u32 v38, $0x3  }
0x274: {  	v38 =	vand.u32 $0x7F, v38;
	v28 =	vand.u32 $0xFFFFFC00, v28;
	v21 =	vand.u32 $0xFFFFFC00, v21  }
0x275: {  	v25 =	vand.u32 $0xFFFFFC00, v25;
	v23 =	vand.u32 $0xFFFFFC00, v23;
	v24 =	vshll.u32 v0, $0x9  }
0x276: {  	[tilespmem:v19+s14+$0x0] =	vst.idx.msk $0xffff, v55;
	v31 =	vand.u32 $0xFFFFFC00, v31;
	v0 =	vshll.u32 v0, $0x7;
	v53 =	vand.u32 $0xFFFFF000, v24  }
0x277: {  	s31 =	simm.s32 $0x3C0;
	[tilespmem:v17+s14+$0x0] =	vst.idx.msk $0xffff, v60;
	v19 =	vand.u32 $0xFFFFFC00, v62;
	v50 =	vand.u32 $0x380, v0;
	v32 =	vadd.s32 v53, v21  }
0x278: {  	v17 =	vld [tilespmem:s31+$0xFFFFFFF0];
	v34 =	vadd.s32 v53, v28;
	v28 =	vadd.s32 v52, v28;
	v37 =	vadd.s32 v53, v23  }
0x279: {  	v21 =	vadd.s32 v52, v21;
	v51 =	vadd.s32 v53, v31;
	v31 =	vadd.s32 v52, v31  }
0x27a: {  	v23 =	vadd.s32 v52, v23;
	v32 =	vor.u32 v27, v32;
	v34 =	vor.u32 v22, v34  }
0x27b: {  	v21 =	vor.u32 v27, v21;
	v37 =	vor.u32 v26, v37;
	v22 =	vor.u32 v22, v28  }
0x27c: {  	v24 =	vld [tilespmem:s20+$0x30];
	v28 =	vadd.s32 v52, v25;
	v25 =	vadd.s32 v53, v25;
	v63 =	vor.u32 v36, v51  }
0x27d: {  	v0 =	vld [tilespmem:s20+$0xFFFFFFD0];
	v31 =	vor.u32 v36, v31;
	v23 =	vor.u32 v26, v23;
	v26 =	vand.u32 $0x7F, v17  }
0x27e: {  	v17 =	vshll.u32 v17, $0x3;
	v32 =	vor.u32 v50, v32;
	v34 =	vor.u32 v50, v34  }
0x27f: {  	v21 =	vor.u32 v49, v21;
	v22 =	vor.u32 v49, v22;
	v25 =	vor.u32 v29, v25  }
0x280: {  	v31 =	vor.u32 v49, v31;
	v28 =	vor.u32 v29, v28;
	v37 =	vor.u32 v50, v37  }
0x281: {  	v23 =	vor.u32 v49, v23;
	v17 =	vand.u32 $0xFFFFFC00, v17;
	v25 =	vor.u32 v50, v25  }
0x282: {  	[tilespmem:v16+s14+$0x0] =	vst.idx.msk $0xffff, v58;
	v28 =	vor.u32 v49, v28;
	v30 =	vshll.u32 v24, $0x3;
	v33 =	vshll.u32 v0, $0x3  }
0x283: {  	v61 =	vld [tilespmem:s31+$0x10];
	[tilespmem:v18+s14+$0x0] =	vst.idx.msk $0xffff, v59;
	v0 =	vand.u32 $0x7F, v0;
	v24 =	vand.u32 $0x7F, v24;
	v30 =	vand.u32 $0xFFFFFC00, v30  }
0x284: {  	v16 =	vld [tilespmem:s31+$0xFFFFFFD0];
	[tilespmem:v12+s14+$0x0] =	vst.idx.msk $0xffff, v54;
	v33 =	vand.u32 $0xFFFFFC00, v33;
	v35 =	vadd.s32 v53, v30;
	v30 =	vadd.s32 v52, v30  }
0x285: {  	v36 =	vld [tilespmem:s31+$0x0];
	v27 =	vor.u32 v24, v35;
	v35 =	vadd.s32 v53, v33;
	v33 =	vadd.s32 v52, v33  }
0x286: {  	v12 =	vadd.s32 v53, v17;
	v32 =	vld.idx.msk [tilespmem:v32+s9+$0x0], $0xffff;
	v24 =	vor.u32 v24, v30;
	v33 =	vor.u32 v0, v33  }
0x287: {  	v30 =	vld [tilespmem:s31+$0x30];
	v27 =	vor.u32 v50, v27;
	v0 =	vor.u32 v0, v35;
	v51 =	vor.u32 v49, v33  }
0x288: {  	v34 =	vld.idx.msk [tilespmem:v34+s9+$0x0], $0xffff;
	v33 =	vor.u32 v50, v63;
	v63 =	vadd.s32 v53, v19;
	v19 =	vadd.s32 v52, v19  }
0x289: {  	v0 =	vor.u32 v50, v0;
	v60 =	vor.u32 v38, v63;
	v19 =	vor.u32 v38, v19;
	v38 =	vld [tilespmem:s31+$0x20]  }
0x28a: {  	v17 =	vadd.s32 v52, v17;
	v29 =	vshll.u32 v36, $0x3;
	v25 =	vld.idx.msk [tilespmem:v25+s9+$0x0], $0xffff;
	v35 =	vor.u32 v50, v60  }
0x28b: {  	[tilespmem:v8+s14+$0x0] =	vst.idx.msk $0xffff, v57;
	v12 =	vor.u32 v26, v12;
	v17 =	vor.u32 v26, v17;
	v29 =	vand.u32 $0xFFFFFC00, v29;
	v60 =	vld [tilespmem:s31+$0xFFFFFFE0]  }
0x28c: {  	v24 =	vor.u32 v49, v24;
	v57 =	vadd.s32 v53, v29;
	v19 =	vor.u32 v49, v19;
	v8 =	vld.idx.msk [tilespmem:v27+s9+$0x0], $0xffff  }
0x28d: {  	v55 =	vand.u32 $0x7F, v61;
	[tilespmem:v22+s14+$0x0] =	vst.idx.msk $0xffff, v34;
	v22 =	vadd.s32 v52, v29;
	v27 =	vshll.u32 v30, $0x3;
	v18 =	vld.idx.msk [tilespmem:v33+s9+$0x0], $0xffff  }
0x28e: {  	[tilespmem:v20+s14+$0x0] =	vst.idx.msk $0xffff, v56;
	v54 =	vld.idx.msk [tilespmem:v0+s9+$0x0], $0xffff;
	v0 =	vor.u32 v50, v12;
	v56 =	vand.u32 $0x7F, v38;
	v20 =	vshll.u32 v38, $0x3  }
0x28f: {  	v38 =	vshll.u32 v16, $0x3;
	v33 =	vld.idx.msk [tilespmem:v35+s9+$0x0], $0xffff;
	v35 =	vshll.u32 v61, $0x3;
	v62 =	vand.u32 $0xFFFFFC00, v20  }
0x290: {  	[tilespmem:v21+s14+$0x0] =	vst.idx.msk $0xffff, v32;
	v61 =	vand.u32 $0x7F, v16;
	v20 =	vand.u32 $0x7F, v36;
	v36 =	vld.idx.msk [tilespmem:v37+s9+$0x0], $0xffff;
	v16 =	vand.u32 $0xFFFFFC00, v27  }
0x291: {  	[tilespmem:v28+s14+$0x0] =	vst.idx.msk $0xffff, v25;
	v12 =	vor.u32 v20, v57;
	v63 =	vand.u32 $0xFFFFFC00, v35;
	v27 =	vadd.s32 v53, v16  }
0x292: {  	v16 =	vadd.s32 v52, v16;
	v58 =	vor.u32 v50, v12;
	v12 =	vand.u32 $0x7F, v30;
	[tilespmem:v24+s14+$0x0] =	vst.idx.msk $0xffff, v8  }
0x293: {  	v37 =	vadd.s32 v53, v63;
	v8 =	vshll.u32 v60, $0x3;
	v24 =	vand.u32 $0xFFFFFC00, v38;
	[tilespmem:v31+s14+$0x0] =	vst.idx.msk $0xffff, v18  }
0x294: {  	v18 =	vand.u32 $0x7F, v60;
	v21 =	vand.u32 $0xFFFFFC00, v8;
	v8 =	vld [tilespmem:s31+$0xFFFFFFC0];
	v60 =	vor.u32 v49, v17;
	[tilespmem:v19+s14+$0x0] =	vst.idx.msk $0xffff, v33  }
0x295: {  	v59 =	vld.idx.msk [tilespmem:v0+s9+$0x0], $0xffff;
	v17 =	vor.u32 v55, v37;
	v19 =	vor.u32 v12, v27;
	[tilespmem:v23+s14+$0x0] =	vst.idx.msk $0xffff, v36  }
0x296: {  	s19 =	simm.s32 $0x8;
	s20 =	simm.s32 $0x440;
	v23 =	vadd.s32 v53, v21;
	v57 =	vor.u32 v50, v19;
	v19 =	vadd.s32 v53, v24  }
.LBB2_18:
0x297: {  	s19 =	sadd.s32 $0x8, s19;
	v0 =	vadd.s32 v52, v24;
	v24 =	vld.idx.msk [tilespmem:v58+s9+$0x0], $0xffff;
	v20 =	vor.u32 v20, v22;
	v22 =	vadd.s32 v52, v62  }
0x298: {  	v26 =	vadd.s32 v53, v62;
	v25 =	vld [tilespmem:s20+$0x10];
	p0 =	slt.u32 s19, $0x18;
	v0 =	vor.u32 v61, v0;
	v20 =	vor.u32 v49, v20  }
0x299: {  	v27 =	vshll.u32 v8, $0x3;
	v23 =	vor.u32 v18, v23;
	v21 =	vadd.s32 v52, v21;
	[tilespmem:v51+s14+$0x0] =	vst.idx.msk $0xffff, v54  }
0x29a: {  	v27 =	vand.u32 $0xFFFFFC00, v27;
	v51 =	vor.u32 v49, v0;
	v0 =	vor.u32 v50, v23;
	v28 =	vld [tilespmem:s20+$0x30];
	[tilespmem:v60+s14+$0x0] =	vst.idx.msk $0xffff, v59  }
0x29b: {  	v8 =	vand.u32 $0x7F, v8;
	v18 =	vor.u32 v18, v21;
	v21 =	vor.u32 v56, v26;
	v23 =	vld [tilespmem:s20+$0xFFFFFFF0]  }
0x29c: {  	v29 =	vadd.s32 v53, v27;
	v27 =	vadd.s32 v52, v27;
	v18 =	vor.u32 v49, v18;
	v26 =	vld [tilespmem:s20+$0x0]  }
0x29d: {  	v29 =	vor.u32 v8, v29;
	v27 =	vor.u32 v8, v27;
	v30 =	vand.u32 $0x7F, v25;
	v31 =	vld [tilespmem:s20+$0x20];
	[tilespmem:v20+s14+$0x0] =	vst.idx.msk $0xffff, v24  }
0x29e: {  	v21 =	vor.u32 v50, v21;
	v24 =	vor.u32 v50, v29;
	v29 =	vadd.s32 v52, v63;
	v20 =	vld [tilespmem:s20+$0xFFFFFFD0]  }
0x29f: {  	v19 =	vor.u32 v61, v19;
	v12 =	vor.u32 v12, v16;
	v27 =	vor.u32 v49, v27;
	v8 =	vld [tilespmem:s20+$0xFFFFFFC0]  }
0x2a0: {  	v19 =	vor.u32 v50, v19;
	v33 =	vor.u32 v49, v12;
	v16 =	vld [tilespmem:s20+$0xFFFFFFE0];
	v32 =	vand.u32 $0x7F, v23  }
0x2a1: {  	v22 =	vor.u32 v56, v22;
	v29 =	vor.u32 v55, v29;
	v55 =	vmovc v30;
	v12 =	vshll.u32 v26, $0x3;
	v0 =	vld.idx.msk [tilespmem:v0+s9+$0x0], $0xffff  }
0x2a2: {  	v17 =	vor.u32 v50, v17;
	v56 =	vand.u32 $0x7F, v31;
	v30 =	vshll.u32 v31, $0x3;
	v31 =	vld.idx.msk [tilespmem:v57+s9+$0x0], $0xffff  }
0x2a3: {  	v29 =	vor.u32 v49, v29;
	v23 =	vshll.u32 v23, $0x3;
	v34 =	vand.u32 $0xFFFFFC00, v12;
	v24 =	vld.idx.msk [tilespmem:v24+s9+$0x0], $0xffff  }
0x2a4: {  	v35 =	vor.u32 v49, v22;
	v23 =	vand.u32 $0xFFFFFC00, v23;
	v12 =	vshll.u32 v28, $0x3;
	v21 =	vld.idx.msk [tilespmem:v21+s9+$0x0], $0xffff  }
0x2a5: {  	v25 =	vshll.u32 v25, $0x3;
	v22 =	vadd.s32 v53, v23;
	v62 =	vand.u32 $0xFFFFFC00, v30;
	v54 =	vld.idx.msk [tilespmem:v19+s9+$0x0], $0xffff  }
0x2a6: {  	v22 =	vor.u32 v32, v22;
	v30 =	vadd.s32 v53, v34;
	v19 =	vshll.u32 v20, $0x3  }
0x2a7: {  	v61 =	vand.u32 $0x7F, v20;
	v36 =	vor.u32 v50, v22;
	v20 =	vand.u32 $0x7F, v26;
	v17 =	vld.idx.msk [tilespmem:v17+s9+$0x0], $0xffff  }
0x2a8: {  	v63 =	vand.u32 $0xFFFFFC00, v25;
	v25 =	vand.u32 $0xFFFFFC00, v12;
	v22 =	vor.u32 v20, v30;
	[tilespmem:v18+s14+$0x0] =	vst.idx.msk $0xffff, v0  }
0x2a9: {  	v12 =	vand.u32 $0x7F, v28;
	v58 =	vor.u32 v50, v22;
	v0 =	vadd.s32 v53, v25;
	[tilespmem:v27+s14+$0x0] =	vst.idx.msk $0xffff, v24  }
.Ltmp8:
0x2aa: {  	v26 =	vadd.s32 v53, v63;
	v22 =	vadd.s32 v52, v34;
	v18 =	vand.u32 $0x7F, v16;
	[tilespmem:v33+s14+$0x0] =	vst.idx.msk $0xffff, v31;
	(pc) =	sbr.rel @p0 .LBB2_18-.Ltmp8, $4  }
0x2ab: {  	v23 =	vadd.s32 v52, v23;
	v24 =	vshll.u32 v16, $0x3;
	v16 =	vadd.s32 v52, v25;
	[tilespmem:v35+s14+$0x0] =	vst.idx.msk $0xffff, v21  }
0x2ac: {  	v23 =	vor.u32 v32, v23;
	v0 =	vor.u32 v12, v0;
	v21 =	vand.u32 $0xFFFFFC00, v24;
	v59 =	vld.idx.msk [tilespmem:v36+s9+$0x0], $0xffff  }
0x2ad: {  	v60 =	vor.u32 v49, v23;
	v57 =	vor.u32 v50, v0;
	v24 =	vand.u32 $0xFFFFFC00, v19;
	[tilespmem:v29+s14+$0x0] =	vst.idx.msk $0xffff, v17  }
0x2ae: {  	s20 =	sadd.s32 $0x80, s20;
	v19 =	vadd.s32 v53, v24;
	v23 =	vadd.s32 v53, v21;
	v17 =	vor.u32 v55, v26  }
0x2af: {  	v0 =	vadd.s32 v52, v24;
	v20 =	vor.u32 v20, v22;
	v22 =	vadd.s32 v52, v62  }
0x2b0: {  	v25 =	vadd.s32 v53, v62;
	v26 =	vshll.u32 v8, $0x3;
	v23 =	vor.u32 v18, v23  }
0x2b1: {  	v21 =	vadd.s32 v52, v21;
	v8 =	vand.u32 $0x7F, v8;
	v19 =	vor.u32 v61, v19  }
0x2b2: {  	s19 =	sor.u32 $0x23, s18;
	v12 =	vor.u32 v12, v16;
	v17 =	vor.u32 v50, v17;
	v0 =	vor.u32 v61, v0  }
0x2b3: {  	v24 =	vmov s19;
	v20 =	vor.u32 v49, v20;
	v26 =	vand.u32 $0xFFFFFC00, v26  }
0x2b4: {  	s20 =	simm.s32 $0x340;
	v18 =	vor.u32 v18, v21;
	v21 =	vor.u32 v56, v25;
	v19 =	vor.u32 v50, v19  }
0x2b5: {  	v16 =	vld [tilespmem:s20+$0x30];
	v12 =	vor.u32 v49, v12;
	v22 =	vor.u32 v56, v22;
	v62 =	vor.u32 v49, v0  }
0x2b6: {  	s19 =	sshrl.u32 s19, $0x1;
	v27 =	vld [tilespmem:s20+$0xFFFFFFE0];
	v0 =	vor.u32 v50, v23;
	v23 =	vadd.s32 v53, v26;
	v25 =	vadd.s32 v52, v26  }
0x2b7: {  	v30 =	vld [tilespmem:s20+$0xFFFFFFF0];
	v18 =	vor.u32 v49, v18;
	v21 =	vor.u32 v50, v21;
	v28 =	vmov s19  }
0x2b8: {  	v35 =	vld [tilespmem:s20+$0xFFFFFFC0];
	v22 =	vor.u32 v49, v22;
	v23 =	vor.u32 v8, v23;
	v8 =	vor.u32 v8, v25  }
0x2b9: {  	v26 =	vld [tilespmem:s20+$0xFFFFFFD0];
	v25 =	vadd.s32 v52, v63;
	v61 =	vshll.u32 v28, $0xA;
	v28 =	vshll.u32 v28, $0x7  }
0x2ba: {  	v23 =	vor.u32 v50, v23;
	v8 =	vor.u32 v49, v8;
	v25 =	vor.u32 v55, v25  }
0x2bb: {  	[tilespmem:v51+s14+$0x0] =	vst.idx.msk $0xffff, v54;
	v53 =	vld [tilespmem:s20+$0x20];
	v50 =	vand.u32 $0x6000, v61;
	v51 =	vand.u32 $0x380, v28;
	v25 =	vor.u32 v49, v25  }
0x2bc: {  	v32 =	vshll.u32 v16, $0x3;
	v36 =	vshll.u32 v27, $0x3;
	v37 =	vand.u32 $0x7F, v16  }
0x2bd: {  	v24 =	vld.idx.msk [tilespmem:v24+s13+$0x0], $0xffff;
	v38 =	vshll.u32 v30, $0x3;
	v16 =	vadd.s32 $0x1F4, v16;
	v61 =	vshll.u32 v35, $0x3  }
0x2be: {  	v33 =	vand.u32 $0x7F, v26;
	v34 =	vshll.u32 v26, $0x3;
	v32 =	vand.u32 $0xFFFFFC00, v32  }
0x2bf: {  	v36 =	vand.u32 $0xFFFFFC00, v36;
	v38 =	vand.u32 $0xFFFFFC00, v38;
	v63 =	vshll.u32 v16, $0x3  }
0x2c0: {  	v56 =	vand.u32 $0xFFFFFC00, v61;
	v16 =	vand.u32 $0x7F, v16;
	v61 =	vshll.u32 v53, $0x3  }
0x2c1: {  	v26 =	vadd.s32 $0x1F4, v26;
	v34 =	vand.u32 $0xFFFFFC00, v34;
	v52 =	vand.u32 $0xFFFFFC00, v63  }
0x2c2: {  	v31 =	vld [tilespmem:s20+$0x0];
	v63 =	vand.u32 $0x7F, v35;
	v52 =	vadd.s32 v50, v52;
	v29 =	vshll.u32 v24, $0x9  }
0x2c3: {  	v16 =	vor.u32 v16, v52;
	v52 =	vand.u32 $0xFFFFFC00, v61;
	v49 =	vand.u32 $0xFFFFF000, v29  }
0x2c4: {  	v61 =	vand.u32 $0x7F, v30;
	v24 =	vshll.u32 v24, $0x7;
	v29 =	vld [tilespmem:s20+$0x10];
	v32 =	vadd.s32 v49, v32  }
0x2c5: {  	v56 =	vadd.s32 v49, v56;
	v34 =	vadd.s32 v49, v34;
	v36 =	vadd.s32 v49, v36  }
0x2c6: {  	v38 =	vadd.s32 v49, v38;
	v52 =	vadd.s32 v49, v52;
	v32 =	vor.u32 v37, v32  }
0x2c7: {  	v37 =	vshll.u32 v31, $0x3;
	v56 =	vor.u32 v63, v56;
	v63 =	vand.u32 $0x7F, v27  }
0x2c8: {  	v33 =	vor.u32 v33, v34;
	v37 =	vand.u32 $0xFFFFFC00, v37;
	v34 =	vor.u32 v63, v36  }
0x2c9: {  	v0 =	vld.idx.msk [tilespmem:v0+s9+$0x0], $0xffff;
	v63 =	vand.u32 $0x7F, v31;
	v37 =	vadd.s32 v49, v37;
	v55 =	vshll.u32 v29, $0x3  }
0x2ca: {  	v21 =	vld.idx.msk [tilespmem:v21+s9+$0x0], $0xffff;
	v36 =	vor.u32 v61, v38;
	v37 =	vor.u32 v63, v37;
	v55 =	vand.u32 $0xFFFFFC00, v55  }
0x2cb: {  	v23 =	vld.idx.msk [tilespmem:v23+s9+$0x0], $0xffff;
	v61 =	vand.u32 $0x7F, v29;
	v63 =	vand.u32 $0x7F, v53;
	v55 =	vadd.s32 v49, v55  }
0x2cc: {  	v38 =	vor.u32 v61, v55;
	v61 =	vor.u32 v63, v52;
	v63 =	vld.idx.msk [tilespmem:v58+s9+$0x0], $0xffff;
	v52 =	vand.u32 $0x380, v24  }
0x2cd: {  	v30 =	vadd.s32 $0x1F4, v30;
	v28 =	vor.u32 v51, v16;
	v24 =	vor.u32 v52, v32  }
0x2ce: {  	[tilespmem:v18+s14+$0x0] =	vst.idx.msk $0xffff, v0;
	v18 =	vshll.u32 v26, $0x3;
	v32 =	vadd.s32 $0x1F4, v35;
	v35 =	vor.u32 v52, v56  }
0x2cf: {  	[tilespmem:v22+s14+$0x0] =	vst.idx.msk $0xffff, v21;
	v18 =	vand.u32 $0xFFFFFC00, v18;
	v16 =	vadd.s32 $0x1F4, v29;
	v29 =	vld.idx.msk [tilespmem:v19+s9+$0x0], $0xffff;
	v33 =	vor.u32 v52, v33  }
0x2d0: {  	v27 =	vadd.s32 $0x1F4, v27;
	[tilespmem:v8+s14+$0x0] =	vst.idx.msk $0xffff, v23;
	v23 =	vshll.u32 v30, $0x3;
	v34 =	vor.u32 v52, v34;
	v56 =	vld.idx.msk [tilespmem:v57+s9+$0x0], $0xffff  }
0x2d1: {  	v21 =	vadd.s32 v50, v18;
	v36 =	vor.u32 v52, v36;
	[tilespmem:v20+s14+$0x0] =	vst.idx.msk $0xffff, v63;
	v20 =	vld.idx.msk [tilespmem:v17+s9+$0x0], $0xffff  }
0x2d2: {  	[tilespmem:v60+s14+$0x0] =	vst.idx.msk $0xffff, v59;
	v31 =	vadd.s32 $0x1F4, v31;
	v22 =	vand.u32 $0xFFFFFC00, v23;
	v37 =	vor.u32 v52, v37;
	v60 =	vld.idx.msk [tilespmem:v24+s9+$0x0], $0xffff  }
0x2d3: {  	v19 =	vshll.u32 v27, $0x3;
	v38 =	vor.u32 v52, v38;
	v17 =	vadd.s32 $0x1F4, v53;
	v53 =	vld.idx.msk [tilespmem:v35+s9+$0x0], $0xffff  }
0x2d4: {  	v22 =	vadd.s32 v50, v22;
	v19 =	vand.u32 $0xFFFFFC00, v19;
	v0 =	vshll.u32 v32, $0x3;
	v8 =	vld.idx.msk [tilespmem:v33+s9+$0x0], $0xffff  }
0x2d5: {  	v54 =	vor.u32 v52, v61;
	v61 =	vshll.u32 v16, $0x3;
	v0 =	vand.u32 $0xFFFFFC00, v0;
	[tilespmem:v12+s14+$0x0] =	vst.idx.msk $0xffff, v56;
	v12 =	vld.idx.msk [tilespmem:v34+s9+$0x0], $0xffff  }
0x2d6: {  	[tilespmem:v62+s14+$0x0] =	vst.idx.msk $0xffff, v29;
	v62 =	vand.u32 $0x7F, v27;
	v59 =	vadd.s32 v50, v0;
	v24 =	vshll.u32 v31, $0x3;
	v55 =	vld.idx.msk [tilespmem:v36+s9+$0x0], $0xffff  }
0x2d7: {  	v63 =	vshll.u32 v17, $0x3;
	v56 =	vld.idx.msk [tilespmem:v37+s9+$0x0], $0xffff;
	v23 =	vand.u32 $0xFFFFFC00, v24;
	v24 =	vand.u32 $0xFFFFFC00, v61  }
0x2d8: {  	v57 =	vld.idx.msk [tilespmem:v38+s9+$0x0], $0xffff;
	v61 =	vand.u32 $0x7F, v30;
	v18 =	vadd.s32 v50, v24;
	v24 =	vand.u32 $0x7F, v32  }
0x2d9: {  	[tilespmem:v25+s14+$0x0] =	vst.idx.msk $0xffff, v20;
	v25 =	vand.u32 $0xFFFFFC00, v63;
	v20 =	vadd.s32 v50, v19;
	v19 =	vadd.s32 v50, v23  }
0x2da: {  	s19 =	simm.s32 $0x0;
	s20 =	simm.s32 $0x3C0;
	v54 =	vld.idx.msk [tilespmem:v54+s9+$0x0], $0xffff;
	v23 =	vand.u32 $0x7F, v26;
	v58 =	vadd.s32 v50, v25;
	[tilespmem:v28+s14+$0x0] =	vst.idx.msk $0xffff, v60;
	v60 =	vand.u32 $0x7F, v31  }
.LBB2_20:
0x2db: {  	v0 =	vld [tilespmem:s20+$0x30];
	s19 =	sadd.s32 $0x8, s19;
	v24 =	vor.u32 v24, v59;
	v16 =	vand.u32 $0x7F, v16;
	v17 =	vand.u32 $0x7F, v17  }
0x2dc: {  	v21 =	vor.u32 v23, v21;
	v20 =	vor.u32 v62, v20;
	v22 =	vor.u32 v61, v22;
	v25 =	vld [tilespmem:s20+$0xFFFFFFD0];
	p0 =	slt.u32 s19, $0x18  }
0x2dd: {  	v19 =	vor.u32 v60, v19;
	v16 =	vor.u32 v16, v18;
	v17 =	vor.u32 v17, v58;
	v23 =	vld [tilespmem:s20+$0xFFFFFFE0]  }
0x2de: {  	v24 =	vor.u32 v51, v24;
	v21 =	vor.u32 v51, v21;
	v20 =	vor.u32 v51, v20;
	v18 =	vld [tilespmem:s20+$0xFFFFFFF0]  }
0x2df: {  	v22 =	vor.u32 v51, v22;
	v19 =	vor.u32 v51, v19;
	v16 =	vor.u32 v51, v16;
	v26 =	vld [tilespmem:s20+$0x0]  }
0x2e0: {  	v17 =	vor.u32 v51, v17;
	v27 =	vld [tilespmem:s20+$0x10];
	v28 =	vshll.u32 v0, $0x3  }
0x2e1: {  	v29 =	vand.u32 $0x7F, v25;
	v30 =	vshll.u32 v25, $0x3;
	v31 =	vld [tilespmem:s20+$0x20];
	v28 =	vand.u32 $0xFFFFFC00, v28  }
0x2e2: {  	v34 =	vand.u32 $0x7F, v0;
	v32 =	vld [tilespmem:s20+$0xFFFFFFC0];
	v33 =	vshll.u32 v23, $0x3;
	v28 =	vadd.s32 v49, v28  }
0x2e3: {  	v30 =	vand.u32 $0xFFFFFC00, v30;
	v35 =	vshll.u32 v18, $0x3;
	v28 =	vor.u32 v34, v28;
	[tilespmem:v24+s14+$0x0] =	vst.idx.msk $0xffff, v53  }
0x2e4: {  	v24 =	vand.u32 $0xFFFFFC00, v33;
	v33 =	vshll.u32 v26, $0x3;
	v28 =	vor.u32 v52, v28;
	[tilespmem:v21+s14+$0x0] =	vst.idx.msk $0xffff, v8  }
0x2e5: {  	v0 =	vadd.s32 $0x1F4, v0;
	v8 =	vand.u32 $0xFFFFFC00, v35;
	v21 =	vshll.u32 v27, $0x3;
	[tilespmem:v20+s14+$0x0] =	vst.idx.msk $0xffff, v12  }
0x2e6: {  	v12 =	vand.u32 $0xFFFFFC00, v33;
	v33 =	vshll.u32 v0, $0x3;
	v20 =	vshll.u32 v31, $0x3;
	[tilespmem:v22+s14+$0x0] =	vst.idx.msk $0xffff, v55  }
0x2e7: {  	v21 =	vand.u32 $0xFFFFFC00, v21;
	v33 =	vand.u32 $0xFFFFFC00, v33;
	v22 =	vshll.u32 v32, $0x3;
	[tilespmem:v19+s14+$0x0] =	vst.idx.msk $0xffff, v56  }
0x2e8: {  	v0 =	vand.u32 $0x7F, v0;
	v19 =	vand.u32 $0xFFFFFC00, v22;
	v22 =	vadd.s32 v50, v33;
	[tilespmem:v16+s14+$0x0] =	vst.idx.msk $0xffff, v57  }
0x2e9: {  	v16 =	vadd.s32 v49, v19;
	v19 =	vand.u32 $0xFFFFFC00, v20;
	v20 =	vld.idx.msk [tilespmem:v28+s9+$0x0], $0xffff;
	v0 =	vor.u32 v0, v22  }
0x2ea: {  	v24 =	vadd.s32 v49, v24;
	v22 =	vadd.s32 v49, v30;
	v0 =	vor.u32 v51, v0  }
0x2eb: {  	v8 =	vadd.s32 v49, v8;
	v12 =	vadd.s32 v49, v12;
	v21 =	vadd.s32 v49, v21  }
0x2ec: {  	v28 =	vand.u32 $0x7F, v32;
	v30 =	vand.u32 $0x7F, v23;
	v19 =	vadd.s32 v49, v19;
	[tilespmem:v17+s14+$0x0] =	vst.idx.msk $0xffff, v54  }
0x2ed: {  	v34 =	vand.u32 $0x7F, v27;
	v33 =	vand.u32 $0x7F, v26;
	v17 =	vand.u32 $0x7F, v18  }
0x2ee: {  	v16 =	vor.u32 v28, v16;
	v22 =	vor.u32 v29, v22;
	v28 =	vand.u32 $0x7F, v31  }
0x2ef: {  	v29 =	vadd.s32 $0x1F4, v32;
	v24 =	vor.u32 v30, v24;
	v8 =	vor.u32 v17, v8;
	[tilespmem:v0+s14+$0x0] =	vst.idx.msk $0xffff, v20  }
0x2f0: {  	v17 =	vor.u32 v28, v19;
	v0 =	vor.u32 v33, v12;
	v12 =	vor.u32 v34, v21  }
0x2f1: {  	v19 =	vor.u32 v52, v16;
	v20 =	vor.u32 v52, v22;
	v21 =	vor.u32 v52, v24  }
0x2f2: {  	v22 =	vor.u32 v52, v8;
	v0 =	vor.u32 v52, v0;
	v24 =	vor.u32 v52, v12  }
0x2f3: {  	v25 =	vadd.s32 $0x1F4, v25;
	v28 =	vadd.s32 $0x1F4, v23;
	v30 =	vor.u32 v52, v17  }
0x2f4: {  	v26 =	vadd.s32 $0x1F4, v26;
	v32 =	vadd.s32 $0x1F4, v18;
	v16 =	vadd.s32 $0x1F4, v27  }
0x2f5: {  	v17 =	vadd.s32 $0x1F4, v31;
	v8 =	vshll.u32 v29, $0x3;
	v12 =	vshll.u32 v25, $0x3  }
0x2f6: {  	v23 =	vshll.u32 v26, $0x3;
	v18 =	vshll.u32 v28, $0x3;
	v53 =	vld.idx.msk [tilespmem:v19+s9+$0x0], $0xffff;
	v19 =	vshll.u32 v32, $0x3  }
0x2f7: {  	v31 =	vshll.u32 v17, $0x3;
	v27 =	vand.u32 $0xFFFFFC00, v8;
	v8 =	vld.idx.msk [tilespmem:v20+s9+$0x0], $0xffff;
	v20 =	vshll.u32 v16, $0x3  }
0x2f8: {  	v18 =	vand.u32 $0xFFFFFC00, v18;
	v33 =	vand.u32 $0xFFFFFC00, v12;
	v19 =	vand.u32 $0xFFFFFC00, v19;
	v12 =	vld.idx.msk [tilespmem:v21+s9+$0x0], $0xffff  }
.Ltmp9:
0x2f9: {  	v23 =	vand.u32 $0xFFFFFC00, v23;
	v31 =	vand.u32 $0xFFFFFC00, v31;
	v34 =	vand.u32 $0xFFFFFC00, v20;
	v55 =	vld.idx.msk [tilespmem:v22+s9+$0x0], $0xffff;
	(pc) =	sbr.rel @p0 .LBB2_20-.Ltmp9, $4  }
0x2fa: {  	v59 =	vadd.s32 v50, v27;
	v21 =	vadd.s32 v50, v33;
	v20 =	vadd.s32 v50, v18;
	v56 =	vld.idx.msk [tilespmem:v0+s9+$0x0], $0xffff  }
0x2fb: {  	v22 =	vadd.s32 v50, v19;
	v19 =	vadd.s32 v50, v23;
	v18 =	vadd.s32 v50, v34;
	v57 =	vld.idx.msk [tilespmem:v24+s9+$0x0], $0xffff  }
0x2fc: {  	v58 =	vadd.s32 v50, v31;
	v23 =	vand.u32 $0x7F, v25;
	v24 =	vand.u32 $0x7F, v29;
	v54 =	vld.idx.msk [tilespmem:v30+s9+$0x0], $0xffff  }
0x2fd: {  	s20 =	sadd.s32 $0x80, s20;
	v60 =	vand.u32 $0x7F, v26;
	v61 =	vand.u32 $0x7F, v32;
	v62 =	vand.u32 $0x7F, v28  }
0x2fe: {  	v0 =	vor.u32 v24, v59  }
0x2ff: {  	v21 =	vor.u32 v23, v21;
	v0 =	vor.u32 v51, v0  }
0x300: {  	v20 =	vor.u32 v62, v20;
	v21 =	vor.u32 v51, v21  }
0x301: {  	v22 =	vor.u32 v61, v22;
	v20 =	vor.u32 v51, v20  }
0x302: {  	v16 =	vand.u32 $0x7F, v16;
	v19 =	vor.u32 v60, v19;
	v22 =	vor.u32 v51, v22  }
0x303: {  	v17 =	vand.u32 $0x7F, v17;
	v16 =	vor.u32 v16, v18;
	v63 =	vor.u32 v51, v19  }
0x304: {  	v17 =	vor.u32 v17, v58;
	v16 =	vor.u32 v51, v16;
	[tilespmem:v0+s14+$0x0] =	vst.idx.msk $0xffff, v53  }
0x305: {  	p0 =	slt.u32 s18, $0x1C;
	v0 =	vor.u32 v51, v17;
	[tilespmem:v21+s14+$0x0] =	vst.idx.msk $0xffff, v8  }
.Ltmp10:
0x306: {  	[tilespmem:v20+s14+$0x0] =	vst.idx.msk $0xffff, v12;
	(pc) =	sbr.rel @p0 .LBB2_13-.Ltmp10, $4  }
0x307: {  	[tilespmem:v22+s14+$0x0] =	vst.idx.msk $0xffff, v55  }
0x308: {  	[tilespmem:v63+s14+$0x0] =	vst.idx.msk $0xffff, v56  }
0x309: {  	s19 =	sadd.s32 $0x4, s18;
	[tilespmem:v16+s14+$0x0] =	vst.idx.msk $0xffff, v57  }
0x30a: {  	s18 =	smov.u32 s19;
	[tilespmem:v0+s14+$0x0] =	vst.idx.msk $0xffff, v54  }
0x30b: {  	[hbm4b:s7+s5] =	stream.linear.scatter [tilespmem:s15], [sflag:$0x2], $0x4000, $0x38;
	[tilespmem:$0x10500] =	vst v63  }
0x30c: {  	s17 =	sadd.s32 $0x1, s17  }
0x30d: {  	_ =	swait.ge [sflag:s16], $0x4000;
	p0 =	sne.s32 s17, s8  }
.Ltmp11:
0x30e: {  	[sflag:s16] =	ssyncset.done $0x0;
	(pc) =	sbr.rel @p0 .LBB2_2-.Ltmp11, $4  }
0x30f: {  	[sflag:s16] =	ssyncadd.s32 $0xFFFFC000  }
0x310: {  	_ =	swait.ge [sflag:s16], $0x4000  }
0x311: {  	[sflag:s16] =	ssyncset.done $0x0  }
0x312: {  	[sflag:s16] =	ssyncadd.s32 $0xFFFFC000  }
.LBB2_23:
0x313: {  	_ =	sfence.sel $0x180000  }
0x314: {  	[bflag:$0x0] =	sbarrier.arrive $0xFFFF  }
0x315: {  	p0 =	sne.s32 s3, $0x0;
	_ =	strace $0x90000047  }
0x316: {  	s0 =	sadd.s32 @!p0 $0x100000, s0;
	[bflag:$0x2] =	sbarrier.arrive $0xFFFF  }
0x317: {  	[sflag:s0] =	ssyncadd.tile.s32 @!p0 $0x1;
	_ =	shalt  }
.Lfunc_end2:
_tile_overlayer_lowered:
.L_overlay_start_2:
0x318: {  	(tag) =	ssettag $0x2  }
0x319: {  	s0 =	rddreg [dreg:$0x0];
	s2 =	stileid.u32  }
0x31a: {  	s1 =	rddreg [dreg:$0x1];
	p0 =	sne.s32 s2, $0x0  }
0x31b: {  	s3 =	rddreg [dreg:$0x2];
	[bflag:$0x3] =	sbarrier.arrive $0xFFFF;
	s2 =	simm.s32 @!p0 $0x1C03  }
0x31c: {  	[timem:s3], [sflag:s2] =	dma.local @!p0 [hbm:s0], s1  }
0x31d: {  	s0 =	simm.s32 @!p0 $0x3  }
0x31e: {  	_ =	swait.ge @!p0 [sflag:s0], s1  }
0x31f: {  	s1 =	ssub.s32 @!p0 $0x0, s1;
	[sflag:s0] =	ssyncset.done @!p0 $0x0  }
0x320: {  	[sflag:s0] =	ssyncadd.s32 @!p0 s1  }
0x321: {  	[bflag:$0x3] =	sbarrier.arrive $0xFFFF  }
0x322: {  	_ =	shalt  }

</sc_bundles>
